<compile_context>
chip_gen: v7x
topology: tpu7x:2x2x1
jax: 0.10.2.dev20260603
libtpu: 0.0.44.dev20260713+nightly
codegen_flags: <defaults>
</compile_context>

<pallas_src>
import functools

import jax
import jax.numpy as jnp
from jax import lax
from jax.experimental import pallas as pl
from jax.experimental.pallas import tpu as pltpu
from jax.experimental.pallas import tpu_sc as plsc

B = 4096
T = 50
D = 128
C = 1000
LANES = 16

NUM_WORKERS = 32
CHUNK_BAGS = 2
IDX_RAW = CHUNK_BAGS * T
IDX_PAD = IDX_RAW
NVREG = D // LANES
NSPLIT = 1


def _pool(x, emb):
    bh = x.shape[0]
    bags_per_w = bh // NUM_WORKERS
    nchunk = bags_per_w // CHUNK_BAGS
    nbuf = 4

    idx = x.reshape(NUM_WORKERS, nchunk, IDX_RAW)

    mesh = plsc.VectorSubcoreMesh(core_axis_name="c", subcore_axis_name="s",
                                  num_cores=2, num_subcores=16)

    @functools.partial(
        pl.kernel,
        out_type=jax.ShapeDtypeStruct((bh, D), jnp.float32),
        mesh=mesh,
        cost_estimate=pl.CostEstimate(
            flops=bh * T * D,
            transcendentals=0,
            bytes_accessed=bh * T * D * 4 + bh * D * 4 + bh * T * 4,
        ),
        scratch_types=[
            pltpu.VMEM((nchunk, IDX_PAD), jnp.int32),
            pltpu.VMEM((IDX_PAD, D), jnp.float32),
            pltpu.VMEM((IDX_PAD, D), jnp.float32),
            pltpu.VMEM((IDX_PAD, D), jnp.float32),
            pltpu.VMEM((IDX_PAD, D), jnp.float32),
            pltpu.VMEM((bags_per_w, D), jnp.float32),
            pltpu.SemaphoreType.DMA,
            pltpu.SemaphoreType.DMA,
            pltpu.SemaphoreType.DMA,
            pltpu.SemaphoreType.DMA,
        ],
    )
    def pool_kernel(idx_hbm, emb_hbm, out_hbm, idx_v, buf0, buf1, buf2,
                    buf3, out_v, sem0, sem1, sem2, sem3):
        wid = lax.axis_index("s") * 2 + lax.axis_index("c")
        pltpu.sync_copy(idx_hbm.at[wid], idx_v)
        bufs = (buf0, buf1, buf2, buf3)
        sems = (sem0, sem1, sem2, sem3)

        def start(c, b):
            pltpu.async_copy(emb_hbm.at[idx_v.at[c]], bufs[b], sems[b])

        def wait(c, b):
            pltpu.make_async_copy(emb_hbm.at[idx_v.at[c]], bufs[b],
                                  sems[b]).wait()

        def reduce_chunk(c, b):
            buf = bufs[b]
            for s in range(CHUNK_BAGS):
                def body(t, accs, _s=s):
                    return tuple(
                        accs[d] + buf[_s * T + t, pl.ds(d * LANES, LANES)]
                        for d in range(NVREG))
                accs = lax.fori_loop(
                    0, T, body,
                    tuple(jnp.zeros((LANES,), jnp.float32)
                          for _ in range(NVREG)))
                row = c * CHUNK_BAGS + s
                for d in range(NVREG):
                    out_v[row, pl.ds(d * LANES, LANES)] = (
                        accs[d] * (1.0 / T))

        for b in range(nbuf):
            start(b, b)

        def main_body(g, carry):
            for b in range(nbuf):
                c = nbuf * g + b
                wait(c, b)
                reduce_chunk(c, b)
                nxt = c + nbuf

                @pl.when(nxt < nchunk)
                def _():
                    start(nxt, b)

            return carry

        lax.fori_loop(0, nchunk // nbuf, main_body, 0)
        pltpu.sync_copy(out_v, out_hbm.at[pl.ds(wid * bags_per_w,
                                                bags_per_w)])

    return pool_kernel(idx, emb)


def _mlp(h, W1, b1, W2, b2, W3, b3, W4, b4, W5, b5):
    bh = h.shape[0]
    BM = 512

    def body(h_ref, w1, v1, w2, v2, w3, v3, w4, v4, w5, v5, o_ref):
        a = h_ref[...]
        a = jnp.maximum(
            jnp.dot(a, w1[...], preferred_element_type=jnp.float32)
            + v1[...], 0.0)
        a = jnp.maximum(
            jnp.dot(a, w2[...], preferred_element_type=jnp.float32)
            + v2[...], 0.0)
        a = jnp.maximum(
            jnp.dot(a, w3[...], preferred_element_type=jnp.float32)
            + v3[...], 0.0)
        a = jnp.maximum(
            jnp.dot(a, w4[...], preferred_element_type=jnp.float32)
            + v4[...], 0.0)
        o_ref[...] = (
            jnp.dot(a, w5[...], preferred_element_type=jnp.float32)
            + v5[...])

    full = lambda arr: pl.BlockSpec(arr.shape, lambda i: (0, 0))
    b2d = [v.reshape(1, -1) for v in (b1, b2, b3, b4, b5)]
    ws = [W1, W2, W3, W4, W5]
    in_specs = [pl.BlockSpec((BM, D), lambda i: (i, 0))]
    for w, v in zip(ws, b2d):
        in_specs.append(full(w))
        in_specs.append(full(v))

    return pl.pallas_call(
        body,
        grid=(bh // BM,),
        in_specs=in_specs,
        out_specs=pl.BlockSpec((BM, C), lambda i: (i, 0)),
        out_shape=jax.ShapeDtypeStruct((bh, C), jnp.float32),
    )(h, W1, b2d[0], W2, b2d[1], W3, b2d[2], W4, b2d[3], W5, b2d[4])


def kernel(x, emb, W1, b1, W2, b2, W3, b3, W4, b4, W5, b5):
    bh = B // NSPLIT
    pooled = [_pool(x[i * bh:(i + 1) * bh], emb) for i in range(NSPLIT)]
    outs = [_mlp(p, W1, b1, W2, b2, W3, b3, W4, b4, W5, b5)
            for p in pooled]
    return outs[0] if NSPLIT == 1 else jnp.concatenate(outs, axis=0)

# --- scband reference (transcript-rebuilt; emitter-appended) ---
"""Pipeline reference for scband-network-37915971289590 (READ-ONLY COPY).

The authoritative reference and input builder live on the scoring server;
editing this copy changes nothing except your own understanding.
"""

import jax, jax.numpy as jnp
import numpy as np

VOCAB = 1000000
D = 128
B = 4096
T = 50
HIDDEN = [512, 1024, 1024, 128]
C = 1000


def setup_inputs(seed: int = 0) -> dict:
    key = jax.random.key(seed)
    ks = jax.random.split(key, 12)
    x = jax.random.randint(ks[0], (B, T), 0, VOCAB, dtype=jnp.int64) if jax.config.jax_enable_x64 else jax.random.randint(ks[0], (B, T), 0, VOCAB, dtype=jnp.int32)
    emb = jax.random.normal(ks[1], (VOCAB, D), dtype=jnp.float32) * 0.02
    dims = [D] + HIDDEN + [C]
    inp = {"x": x, "emb": emb}
    for i in range(len(dims) - 1):
        inp[f"W{i+1}"] = jax.random.normal(ks[2 + i], (dims[i], dims[i + 1]), dtype=jnp.float32) * 0.02
        inp[f"b{i+1}"] = jnp.zeros((dims[i + 1],), dtype=jnp.float32)
    return inp


def reference(x, emb, W1, b1, W2, b2, W3, b3, W4, b4, W5, b5):
    # embedding lookup: [B, T] -> [B, T, D]
    h = jnp.take(emb, x, axis=0)
    # no mask path: mean over tokens
    h = jnp.mean(h, axis=1)
    # LinearSequential MLP: hidden layers with ReLU, final linear
    Ws = [W1, W2, W3, W4, W5]
    bs = [b1, b2, b3, b4, b5]
    for i in range(4):
        h = jax.nn.relu(h @ Ws[i] + bs[i])
    h = h @ Ws[4] + bs[4]
    return h

if __name__ == "__main__":
    import jax
    _d = setup_inputs()
    print(jax.jit(kernel)(*tuple(_d.values())))

</pallas_src>

<mosaic_0001>
#map = affine_map<(d0, d1) -> (0, 0, 0)>
#map1 = affine_map<(d0, d1) -> (0, 0)>
module attributes {stable_mosaic.version = 14 : i64} {
  func.func @pool_kernel(%arg0: i32, %arg1: i32, %arg2: memref<32x64x100xi32, #tpu.memory_space<hbm>>, %arg3: memref<1000000x128xf32, #tpu.memory_space<hbm>>, %arg4: memref<4096x128xf32, #tpu.memory_space<hbm>>, %arg5: memref<64x100xi32, #tpu.memory_space<vmem>>, %arg6: memref<100x128xf32, #tpu.memory_space<vmem>>, %arg7: memref<100x128xf32, #tpu.memory_space<vmem>>, %arg8: memref<100x128xf32, #tpu.memory_space<vmem>>, %arg9: memref<100x128xf32, #tpu.memory_space<vmem>>, %arg10: memref<128x128xf32, #tpu.memory_space<vmem>>, %arg11: memref<!tpu.dma_semaphore, #tpu.memory_space<semaphore_mem>>, %arg12: memref<!tpu.dma_semaphore, #tpu.memory_space<semaphore_mem>>, %arg13: memref<!tpu.dma_semaphore, #tpu.memory_space<semaphore_mem>>, %arg14: memref<!tpu.dma_semaphore, #tpu.memory_space<semaphore_mem>>) attributes {dimension_semantics = [#tpu.dimension_semantics<core_parallel>, #tpu.dimension_semantics<subcore_parallel>], iteration_bounds = array<i64: 2, 16>, scalar_prefetch = 0 : i64, scratch_operands = 10 : i64, tpu.core_type = #tpu.core_type<sc_vector_subcore>, window_params = [{transform_indices = #map}, {transform_indices = #map1}, {transform_indices = #map1}]} {
    %mul3A = arith.constant 2 : i32
    %mul3A_0 = arith.muli %arg1, %mul3A : i32
    %add3A = arith.addi %mul3A_0, %arg0 : i32
    "tpu.region"() ({
      %run_scoped3A = tpu.sem_alloc : memref<!tpu.dma_semaphore, #tpu.memory_space<semaphore_mem>>
      %dma_start3A_35 = arith.constant 0 : i32
      %dma_start3A_36 = arith.constant 0 : i32
      %dma_start3A_37 = tpu.memref_slice %arg2[%add3A, %dma_start3A_35, %dma_start3A_36] : memref<32x64x100xi32, #tpu.memory_space<hbm>> -> memref<1x64x100xi32, #tpu.memory_space<hbm>>
      %dma_start3A_38 = tpu.memref_squeeze %dma_start3A_37 : memref<1x64x100xi32, #tpu.memory_space<hbm>> -> memref<64x100xi32, #tpu.memory_space<hbm>>
      %dma_start3A_39 = arith.constant 0 : i32
      %dma_start3A_40 = arith.constant 0 : i32
      %dma_start3A_41 = tpu.memref_slice %arg2[%add3A, %dma_start3A_39, %dma_start3A_40] : memref<32x64x100xi32, #tpu.memory_space<hbm>> -> memref<1x64x100xi32, #tpu.memory_space<hbm>>
      %dma_start3A_42 = tpu.memref_squeeze %dma_start3A_41 : memref<1x64x100xi32, #tpu.memory_space<hbm>> -> memref<64x100xi32, #tpu.memory_space<hbm>>
      tpu.enqueue_dma source(%dma_start3A_42 : memref<64x100xi32, #tpu.memory_space<hbm>>) target(%arg5 : memref<64x100xi32, #tpu.memory_space<vmem>>) target_semaphore(%run_scoped3A : memref<!tpu.dma_semaphore, #tpu.memory_space<semaphore_mem>>)
      %dma_wait3A = arith.constant 0 : i32
      %dma_wait3A_43 = arith.constant 0 : i32
      %dma_wait3A_44 = tpu.memref_slice %arg2[%add3A, %dma_wait3A, %dma_wait3A_43] : memref<32x64x100xi32, #tpu.memory_space<hbm>> -> memref<1x64x100xi32, #tpu.memory_space<hbm>>
      %dma_wait3A_45 = tpu.memref_squeeze %dma_wait3A_44 : memref<1x64x100xi32, #tpu.memory_space<hbm>> -> memref<64x100xi32, #tpu.memory_space<hbm>>
      %dma_wait3A_46 = arith.constant 0 : i32
      %dma_wait3A_47 = arith.constant 0 : i32
      %dma_wait3A_48 = tpu.memref_slice %arg2[%add3A, %dma_wait3A_46, %dma_wait3A_47] : memref<32x64x100xi32, #tpu.memory_space<hbm>> -> memref<1x64x100xi32, #tpu.memory_space<hbm>>
      %dma_wait3A_49 = tpu.memref_squeeze %dma_wait3A_48 : memref<1x64x100xi32, #tpu.memory_space<hbm>> -> memref<64x100xi32, #tpu.memory_space<hbm>>
      tpu.wait_dma2 semaphore(%run_scoped3A : memref<!tpu.dma_semaphore, #tpu.memory_space<semaphore_mem>>) src(%dma_wait3A_49 : memref<64x100xi32, #tpu.memory_space<hbm>>) dst(%arg5 : memref<64x100xi32, #tpu.memory_space<vmem>>)
      tpu.yield
    }) : () -> ()
    %dma_start3A = arith.constant 0 : i32
    %dma_start3A_1 = arith.constant 0 : i32
    %dma_start3A_2 = tpu.memref_slice %arg5[%dma_start3A, %dma_start3A_1] : memref<64x100xi32, #tpu.memory_space<vmem>> -> memref<1x100xi32, #tpu.memory_space<vmem>>
    %dma_start3A_3 = tpu.memref_squeeze %dma_start3A_2 : memref<1x100xi32, #tpu.memory_space<vmem>> -> memref<100xi32, #tpu.memory_space<vmem>>
    %dma_start3A_4 = arith.constant 0 : i32
    %dma_start3A_5 = arith.constant 0 : i32
    %dma_start3A_6 = tpu.memref_slice %arg3[%dma_start3A_4, %dma_start3A_5] : memref<1000000x128xf32, #tpu.memory_space<hbm>> -> memref<1000000x128xf32, #tpu.memory_space<hbm>>
    tpu.enqueue_indirect_dma source(%dma_start3A_6 : memref<1000000x128xf32, #tpu.memory_space<hbm>>) target(%arg6 : memref<100x128xf32, #tpu.memory_space<vmem>>) offsets(%dma_start3A_3 : memref<100xi32, #tpu.memory_space<vmem>>) semaphore(%arg11 : memref<!tpu.dma_semaphore, #tpu.memory_space<semaphore_mem>>)
    %dma_start3A_7 = arith.constant 1 : i32
    %dma_start3A_8 = arith.constant 0 : i32
    %dma_start3A_9 = tpu.memref_slice %arg5[%dma_start3A_7, %dma_start3A_8] : memref<64x100xi32, #tpu.memory_space<vmem>> -> memref<1x100xi32, #tpu.memory_space<vmem>>
    %dma_start3A_10 = tpu.memref_squeeze %dma_start3A_9 : memref<1x100xi32, #tpu.memory_space<vmem>> -> memref<100xi32, #tpu.memory_space<vmem>>
    %dma_start3A_11 = arith.constant 0 : i32
    %dma_start3A_12 = arith.constant 0 : i32
    %dma_start3A_13 = tpu.memref_slice %arg3[%dma_start3A_11, %dma_start3A_12] : memref<1000000x128xf32, #tpu.memory_space<hbm>> -> memref<1000000x128xf32, #tpu.memory_space<hbm>>
    tpu.enqueue_indirect_dma source(%dma_start3A_13 : memref<1000000x128xf32, #tpu.memory_space<hbm>>) target(%arg7 : memref<100x128xf32, #tpu.memory_space<vmem>>) offsets(%dma_start3A_10 : memref<100xi32, #tpu.memory_space<vmem>>) semaphore(%arg12 : memref<!tpu.dma_semaphore, #tpu.memory_space<semaphore_mem>>)
    %dma_start3A_14 = arith.constant 2 : i32
    %dma_start3A_15 = arith.constant 0 : i32
    %dma_start3A_16 = tpu.memref_slice %arg5[%dma_start3A_14, %dma_start3A_15] : memref<64x100xi32, #tpu.memory_space<vmem>> -> memref<1x100xi32, #tpu.memory_space<vmem>>
    %dma_start3A_17 = tpu.memref_squeeze %dma_start3A_16 : memref<1x100xi32, #tpu.memory_space<vmem>> -> memref<100xi32, #tpu.memory_space<vmem>>
    %dma_start3A_18 = arith.constant 0 : i32
    %dma_start3A_19 = arith.constant 0 : i32
    %dma_start3A_20 = tpu.memref_slice %arg3[%dma_start3A_18, %dma_start3A_19] : memref<1000000x128xf32, #tpu.memory_space<hbm>> -> memref<1000000x128xf32, #tpu.memory_space<hbm>>
    tpu.enqueue_indirect_dma source(%dma_start3A_20 : memref<1000000x128xf32, #tpu.memory_space<hbm>>) target(%arg8 : memref<100x128xf32, #tpu.memory_space<vmem>>) offsets(%dma_start3A_17 : memref<100xi32, #tpu.memory_space<vmem>>) semaphore(%arg13 : memref<!tpu.dma_semaphore, #tpu.memory_space<semaphore_mem>>)
    %dma_start3A_21 = arith.constant 3 : i32
    %dma_start3A_22 = arith.constant 0 : i32
    %dma_start3A_23 = tpu.memref_slice %arg5[%dma_start3A_21, %dma_start3A_22] : memref<64x100xi32, #tpu.memory_space<vmem>> -> memref<1x100xi32, #tpu.memory_space<vmem>>
    %dma_start3A_24 = tpu.memref_squeeze %dma_start3A_23 : memref<1x100xi32, #tpu.memory_space<vmem>> -> memref<100xi32, #tpu.memory_space<vmem>>
    %dma_start3A_25 = arith.constant 0 : i32
    %dma_start3A_26 = arith.constant 0 : i32
    %dma_start3A_27 = tpu.memref_slice %arg3[%dma_start3A_25, %dma_start3A_26] : memref<1000000x128xf32, #tpu.memory_space<hbm>> -> memref<1000000x128xf32, #tpu.memory_space<hbm>>
    tpu.enqueue_indirect_dma source(%dma_start3A_27 : memref<1000000x128xf32, #tpu.memory_space<hbm>>) target(%arg9 : memref<100x128xf32, #tpu.memory_space<vmem>>) offsets(%dma_start3A_24 : memref<100xi32, #tpu.memory_space<vmem>>) semaphore(%arg14 : memref<!tpu.dma_semaphore, #tpu.memory_space<semaphore_mem>>)
    %scan3A = arith.constant 0 : i32
    %scan3A_28 = arith.constant 0 : i32
    %scan3A_29 = arith.constant 16 : i32
    %scan3A_30 = arith.addi %scan3A_28, %scan3A_29 : i32
    %scan3A_31 = arith.constant 1 : i32
    scf.for %scan3A_35 = %scan3A_28 to %scan3A_30 step %scan3A_31  : i32 {
      %mul3A_36 = arith.constant 4 : i32
      %mul3A_37 = arith.muli %mul3A_36, %scan3A_35 : i32
      %add3A_38 = arith.constant 0 : i32
      %add3A_39 = arith.addi %mul3A_37, %add3A_38 : i32
      %dma_wait3A = arith.constant 0 : i32
      %dma_wait3A_40 = tpu.memref_slice %arg5[%add3A_39, %dma_wait3A] : memref<64x100xi32, #tpu.memory_space<vmem>> -> memref<1x100xi32, #tpu.memory_space<vmem>>
      %dma_wait3A_41 = tpu.memref_squeeze %dma_wait3A_40 : memref<1x100xi32, #tpu.memory_space<vmem>> -> memref<100xi32, #tpu.memory_space<vmem>>
      %dma_wait3A_42 = arith.constant 0 : i32
      %dma_wait3A_43 = arith.constant 0 : i32
      %dma_wait3A_44 = tpu.memref_slice %arg3[%dma_wait3A_42, %dma_wait3A_43] : memref<1000000x128xf32, #tpu.memory_space<hbm>> -> memref<1000000x128xf32, #tpu.memory_space<hbm>>
      tpu.wait_indirect_dma semaphore(%arg11 : memref<!tpu.dma_semaphore, #tpu.memory_space<semaphore_mem>>) src(%dma_wait3A_44 : memref<1000000x128xf32, #tpu.memory_space<hbm>>) dst(%arg6 : memref<100x128xf32, #tpu.memory_space<vmem>>)
      %broadcast_in_dim3A = arith.constant 0.000000e+00 : f32
      %broadcast_in_dim3A_45 = vector.broadcast %broadcast_in_dim3A : f32 to vector<16xf32>
      %broadcast_in_dim3A_46 = arith.constant 0.000000e+00 : f32
      %broadcast_in_dim3A_47 = vector.broadcast %broadcast_in_dim3A_46 : f32 to vector<16xf32>
      %broadcast_in_dim3A_48 = arith.constant 0.000000e+00 : f32
      %broadcast_in_dim3A_49 = vector.broadcast %broadcast_in_dim3A_48 : f32 to vector<16xf32>
      %broadcast_in_dim3A_50 = arith.constant 0.000000e+00 : f32
      %broadcast_in_dim3A_51 = vector.broadcast %broadcast_in_dim3A_50 : f32 to vector<16xf32>
      %broadcast_in_dim3A_52 = arith.constant 0.000000e+00 : f32
      %broadcast_in_dim3A_53 = vector.broadcast %broadcast_in_dim3A_52 : f32 to vector<16xf32>
      %broadcast_in_dim3A_54 = arith.constant 0.000000e+00 : f32
      %broadcast_in_dim3A_55 = vector.broadcast %broadcast_in_dim3A_54 : f32 to vector<16xf32>
      %broadcast_in_dim3A_56 = arith.constant 0.000000e+00 : f32
      %broadcast_in_dim3A_57 = vector.broadcast %broadcast_in_dim3A_56 : f32 to vector<16xf32>
      %broadcast_in_dim3A_58 = arith.constant 0.000000e+00 : f32
      %broadcast_in_dim3A_59 = vector.broadcast %broadcast_in_dim3A_58 : f32 to vector<16xf32>
      %scan3A_60 = arith.constant 0 : i32
      %scan3A_61 = arith.constant 50 : i32
      %scan3A_62 = arith.addi %scan3A_60, %scan3A_61 : i32
      %scan3A_63 = arith.constant 1 : i32
      %scan3A_64:8 = scf.for %scan3A_818 = %scan3A_60 to %scan3A_62 step %scan3A_63 iter_args(%scan3A_819 = %broadcast_in_dim3A_45, %scan3A_820 = %broadcast_in_dim3A_47, %scan3A_821 = %broadcast_in_dim3A_49, %scan3A_822 = %broadcast_in_dim3A_51, %scan3A_823 = %broadcast_in_dim3A_53, %scan3A_824 = %broadcast_in_dim3A_55, %scan3A_825 = %broadcast_in_dim3A_57, %scan3A_826 = %broadcast_in_dim3A_59) -> (vector<16xf32>, vector<16xf32>, vector<16xf32>, vector<16xf32>, vector<16xf32>, vector<16xf32>, vector<16xf32>, vector<16xf32>)  : i32 {
        %add3A_827 = arith.constant 0 : i32
        %add3A_828 = arith.addi %add3A_827, %scan3A_818 : i32
        %get3A = arith.index_cast %add3A_828 : i32 to index
        %get3A_829 = arith.constant 0 : index
        %get3A_830 = tpu.vector_load %arg6[%get3A, %get3A_829] {strides = array<i32>} : memref<100x128xf32, #tpu.memory_space<vmem>>, vector<1x16xf32>,
        %get3A_831 = vector.shape_cast %get3A_830 : vector<1x16xf32> to vector<16xf32>
        %add3A_832 = arith.addf %scan3A_819, %get3A_831 : vector<16xf32>
        %add3A_833 = arith.constant 0 : i32
        %add3A_834 = arith.addi %add3A_833, %scan3A_818 : i32
        %get3A_835 = arith.index_cast %add3A_834 : i32 to index
        %get3A_836 = arith.constant 16 : index
        %get3A_837 = tpu.vector_load %arg6[%get3A_835, %get3A_836] {strides = array<i32>} : memref<100x128xf32, #tpu.memory_space<vmem>>, vector<1x16xf32>,
        %get3A_838 = vector.shape_cast %get3A_837 : vector<1x16xf32> to vector<16xf32>
        %add3A_839 = arith.addf %scan3A_820, %get3A_838 : vector<16xf32>
        %add3A_840 = arith.constant 0 : i32
        %add3A_841 = arith.addi %add3A_840, %scan3A_818 : i32
        %get3A_842 = arith.index_cast %add3A_841 : i32 to index
        %get3A_843 = arith.constant 32 : index
        %get3A_844 = tpu.vector_load %arg6[%get3A_842, %get3A_843] {strides = array<i32>} : memref<100x128xf32, #tpu.memory_space<vmem>>, vector<1x16xf32>,
        %get3A_845 = vector.shape_cast %get3A_844 : vector<1x16xf32> to vector<16xf32>
        %add3A_846 = arith.addf %scan3A_821, %get3A_845 : vector<16xf32>
        %add3A_847 = arith.constant 0 : i32
        %add3A_848 = arith.addi %add3A_847, %scan3A_818 : i32
        %get3A_849 = arith.index_cast %add3A_848 : i32 to index
        %get3A_850 = arith.constant 48 : index
        %get3A_851 = tpu.vector_load %arg6[%get3A_849, %get3A_850] {strides = array<i32>} : memref<100x128xf32, #tpu.memory_space<vmem>>, vector<1x16xf32>,
        %get3A_852 = vector.shape_cast %get3A_851 : vector<1x16xf32> to vector<16xf32>
        %add3A_853 = arith.addf %scan3A_822, %get3A_852 : vector<16xf32>
        %add3A_854 = arith.constant 0 : i32
        %add3A_855 = arith.addi %add3A_854, %scan3A_818 : i32
        %get3A_856 = arith.index_cast %add3A_855 : i32 to index
        %get3A_857 = arith.constant 64 : index
        %get3A_858 = tpu.vector_load %arg6[%get3A_856, %get3A_857] {strides = array<i32>} : memref<100x128xf32, #tpu.memory_space<vmem>>, vector<1x16xf32>,
        %get3A_859 = vector.shape_cast %get3A_858 : vector<1x16xf32> to vector<16xf32>
        %add3A_860 = arith.addf %scan3A_823, %get3A_859 : vector<16xf32>
        %add3A_861 = arith.constant 0 : i32
        %add3A_862 = arith.addi %add3A_861, %scan3A_818 : i32
        %get3A_863 = arith.index_cast %add3A_862 : i32 to index
        %get3A_864 = arith.constant 80 : index
        %get3A_865 = tpu.vector_load %arg6[%get3A_863, %get3A_864] {strides = array<i32>} : memref<100x128xf32, #tpu.memory_space<vmem>>, vector<1x16xf32>,
        %get3A_866 = vector.shape_cast %get3A_865 : vector<1x16xf32> to vector<16xf32>
        %add3A_867 = arith.addf %scan3A_824, %get3A_866 : vector<16xf32>
        %add3A_868 = arith.constant 0 : i32
        %add3A_869 = arith.addi %add3A_868, %scan3A_818 : i32
        %get3A_870 = arith.index_cast %add3A_869 : i32 to index
        %get3A_871 = arith.constant 96 : index
        %get3A_872 = tpu.vector_load %arg6[%get3A_870, %get3A_871] {strides = array<i32>} : memref<100x128xf32, #tpu.memory_space<vmem>>, vector<1x16xf32>,
        %get3A_873 = vector.shape_cast %get3A_872 : vector<1x16xf32> to vector<16xf32>
        %add3A_874 = arith.addf %scan3A_825, %get3A_873 : vector<16xf32>
        %add3A_875 = arith.constant 0 : i32
        %add3A_876 = arith.addi %add3A_875, %scan3A_818 : i32
        %get3A_877 = arith.index_cast %add3A_876 : i32 to index
        %get3A_878 = arith.constant 112 : index
        %get3A_879 = tpu.vector_load %arg6[%get3A_877, %get3A_878] {strides = array<i32>} : memref<100x128xf32, #tpu.memory_space<vmem>>, vector<1x16xf32>,
        %get3A_880 = vector.shape_cast %get3A_879 : vector<1x16xf32> to vector<16xf32>
        %add3A_881 = arith.addf %scan3A_826, %get3A_880 : vector<16xf32>
        scf.yield %add3A_832, %add3A_839, %add3A_846, %add3A_853, %add3A_860, %add3A_867, %add3A_874, %add3A_881 : vector<16xf32>, vector<16xf32>, vector<16xf32>, vector<16xf32>, vector<16xf32>, vector<16xf32>, vector<16xf32>, vector<16xf32>
      }
      %scan3A_65 = arith.constant 50 : i32
      %mul3A_66 = arith.constant 2 : i32
      %mul3A_67 = arith.muli %add3A_39, %mul3A_66 : i32
      %add3A_68 = arith.constant 0 : i32
      %add3A_69 = arith.addi %mul3A_67, %add3A_68 : i32
      %mul3A_70 = arith.constant 2.000000e-02 : f32
      %mul3A_71 = vector.broadcast %mul3A_70 : f32 to vector<16xf32>
      %mul3A_72 = arith.mulf %scan3A_64#0, %mul3A_71 : vector<16xf32>
      %swap3A = arith.index_cast %add3A_69 : i32 to index
      %swap3A_73 = arith.constant 0 : index
      %swap3A_74 = tpu.vector_load %arg10[%swap3A, %swap3A_73] {strides = array<i32>} : memref<128x128xf32, #tpu.memory_space<vmem>>, vector<1x16xf32>,
      %swap3A_75 = vector.shape_cast %swap3A_74 : vector<1x16xf32> to vector<16xf32>
      %swap3A_76 = vector.shape_cast %mul3A_72 : vector<16xf32> to vector<1x16xf32>
      tpu.vector_store %arg10[%swap3A, %swap3A_73], %swap3A_76 {strides = array<i32>} : memref<128x128xf32, #tpu.memory_space<vmem>>, vector<1x16xf32>,
      %mul3A_77 = arith.constant 2.000000e-02 : f32
      %mul3A_78 = vector.broadcast %mul3A_77 : f32 to vector<16xf32>
      %mul3A_79 = arith.mulf %scan3A_64#1, %mul3A_78 : vector<16xf32>
      %swap3A_80 = arith.index_cast %add3A_69 : i32 to index
      %swap3A_81 = arith.constant 16 : index
      %swap3A_82 = tpu.vector_load %arg10[%swap3A_80, %swap3A_81] {strides = array<i32>} : memref<128x128xf32, #tpu.memory_space<vmem>>, vector<1x16xf32>,
      %swap3A_83 = vector.shape_cast %swap3A_82 : vector<1x16xf32> to vector<16xf32>
      %swap3A_84 = vector.shape_cast %mul3A_79 : vector<16xf32> to vector<1x16xf32>
      tpu.vector_store %arg10[%swap3A_80, %swap3A_81], %swap3A_84 {strides = array<i32>} : memref<128x128xf32, #tpu.memory_space<vmem>>, vector<1x16xf32>,
      %mul3A_85 = arith.constant 2.000000e-02 : f32
      %mul3A_86 = vector.broadcast %mul3A_85 : f32 to vector<16xf32>
      %mul3A_87 = arith.mulf %scan3A_64#2, %mul3A_86 : vector<16xf32>
      %swap3A_88 = arith.index_cast %add3A_69 : i32 to index
      %swap3A_89 = arith.constant 32 : index
      %swap3A_90 = tpu.vector_load %arg10[%swap3A_88, %swap3A_89] {strides = array<i32>} : memref<128x128xf32, #tpu.memory_space<vmem>>, vector<1x16xf32>,
      %swap3A_91 = vector.shape_cast %swap3A_90 : vector<1x16xf32> to vector<16xf32>
      %swap3A_92 = vector.shape_cast %mul3A_87 : vector<16xf32> to vector<1x16xf32>
      tpu.vector_store %arg10[%swap3A_88, %swap3A_89], %swap3A_92 {strides = array<i32>} : memref<128x128xf32, #tpu.memory_space<vmem>>, vector<1x16xf32>,
      %mul3A_93 = arith.constant 2.000000e-02 : f32
      %mul3A_94 = vector.broadcast %mul3A_93 : f32 to vector<16xf32>
      %mul3A_95 = arith.mulf %scan3A_64#3, %mul3A_94 : vector<16xf32>
      %swap3A_96 = arith.index_cast %add3A_69 : i32 to index
      %swap3A_97 = arith.constant 48 : index
      %swap3A_98 = tpu.vector_load %arg10[%swap3A_96, %swap3A_97] {strides = array<i32>} : memref<128x128xf32, #tpu.memory_space<vmem>>, vector<1x16xf32>,
      %swap3A_99 = vector.shape_cast %swap3A_98 : vector<1x16xf32> to vector<16xf32>
      %swap3A_100 = vector.shape_cast %mul3A_95 : vector<16xf32> to vector<1x16xf32>
      tpu.vector_store %arg10[%swap3A_96, %swap3A_97], %swap3A_100 {strides = array<i32>} : memref<128x128xf32, #tpu.memory_space<vmem>>, vector<1x16xf32>,
      %mul3A_101 = arith.constant 2.000000e-02 : f32
      %mul3A_102 = vector.broadcast %mul3A_101 : f32 to vector<16xf32>
      %mul3A_103 = arith.mulf %scan3A_64#4, %mul3A_102 : vector<16xf32>
      %swap3A_104 = arith.index_cast %add3A_69 : i32 to index
      %swap3A_105 = arith.constant 64 : index
      %swap3A_106 = tpu.vector_load %arg10[%swap3A_104, %swap3A_105] {strides = array<i32>} : memref<128x128xf32, #tpu.memory_space<vmem>>, vector<1x16xf32>,
      %swap3A_107 = vector.shape_cast %swap3A_106 : vector<1x16xf32> to vector<16xf32>
      %swap3A_108 = vector.shape_cast %mul3A_103 : vector<16xf32> to vector<1x16xf32>
      tpu.vector_store %arg10[%swap3A_104, %swap3A_105], %swap3A_108 {strides = array<i32>} : memref<128x128xf32, #tpu.memory_space<vmem>>, vector<1x16xf32>,
      %mul3A_109 = arith.constant 2.000000e-02 : f32
      %mul3A_110 = vector.broadcast %mul3A_109 : f32 to vector<16xf32>
      %mul3A_111 = arith.mulf %scan3A_64#5, %mul3A_110 : vector<16xf32>
      %swap3A_112 = arith.index_cast %add3A_69 : i32 to index
      %swap3A_113 = arith.constant 80 : index
      %swap3A_114 = tpu.vector_load %arg10[%swap3A_112, %swap3A_113] {strides = array<i32>} : memref<128x128xf32, #tpu.memory_space<vmem>>, vector<1x16xf32>,
      %swap3A_115 = vector.shape_cast %swap3A_114 : vector<1x16xf32> to vector<16xf32>
      %swap3A_116 = vector.shape_cast %mul3A_111 : vector<16xf32> to vector<1x16xf32>
      tpu.vector_store %arg10[%swap3A_112, %swap3A_113], %swap3A_116 {strides = array<i32>} : memref<128x128xf32, #tpu.memory_space<vmem>>, vector<1x16xf32>,
      %mul3A_117 = arith.constant 2.000000e-02 : f32
      %mul3A_118 = vector.broadcast %mul3A_117 : f32 to vector<16xf32>
      %mul3A_119 = arith.mulf %scan3A_64#6, %mul3A_118 : vector<16xf32>
      %swap3A_120 = arith.index_cast %add3A_69 : i32 to index
      %swap3A_121 = arith.constant 96 : index
      %swap3A_122 = tpu.vector_load %arg10[%swap3A_120, %swap3A_121] {strides = array<i32>} : memref<128x128xf32, #tpu.memory_space<vmem>>, vector<1x16xf32>,
      %swap3A_123 = vector.shape_cast %swap3A_122 : vector<1x16xf32> to vector<16xf32>
      %swap3A_124 = vector.shape_cast %mul3A_119 : vector<16xf32> to vector<1x16xf32>
      tpu.vector_store %arg10[%swap3A_120, %swap3A_121], %swap3A_124 {strides = array<i32>} : memref<128x128xf32, #tpu.memory_space<vmem>>, vector<1x16xf32>,
      %mul3A_125 = arith.constant 2.000000e-02 : f32
      %mul3A_126 = vector.broadcast %mul3A_125 : f32 to vector<16xf32>
      %mul3A_127 = arith.mulf %scan3A_64#7, %mul3A_126 : vector<16xf32>
      %swap3A_128 = arith.index_cast %add3A_69 : i32 to index
      %swap3A_129 = arith.constant 112 : index
      %swap3A_130 = tpu.vector_load %arg10[%swap3A_128, %swap3A_129] {strides = array<i32>} : memref<128x128xf32, #tpu.memory_space<vmem>>, vector<1x16xf32>,
      %swap3A_131 = vector.shape_cast %swap3A_130 : vector<1x16xf32> to vector<16xf32>
      %swap3A_132 = vector.shape_cast %mul3A_127 : vector<16xf32> to vector<1x16xf32>
      tpu.vector_store %arg10[%swap3A_128, %swap3A_129], %swap3A_132 {strides = array<i32>} : memref<128x128xf32, #tpu.memory_space<vmem>>, vector<1x16xf32>,
      %broadcast_in_dim3A_133 = arith.constant 0.000000e+00 : f32
      %broadcast_in_dim3A_134 = vector.broadcast %broadcast_in_dim3A_133 : f32 to vector<16xf32>
      %broadcast_in_dim3A_135 = arith.constant 0.000000e+00 : f32
      %broadcast_in_dim3A_136 = vector.broadcast %broadcast_in_dim3A_135 : f32 to vector<16xf32>
      %broadcast_in_dim3A_137 = arith.constant 0.000000e+00 : f32
      %broadcast_in_dim3A_138 = vector.broadcast %broadcast_in_dim3A_137 : f32 to vector<16xf32>
      %broadcast_in_dim3A_139 = arith.constant 0.000000e+00 : f32
      %broadcast_in_dim3A_140 = vector.broadcast %broadcast_in_dim3A_139 : f32 to vector<16xf32>
      %broadcast_in_dim3A_141 = arith.constant 0.000000e+00 : f32
      %broadcast_in_dim3A_142 = vector.broadcast %broadcast_in_dim3A_141 : f32 to vector<16xf32>
      %broadcast_in_dim3A_143 = arith.constant 0.000000e+00 : f32
      %broadcast_in_dim3A_144 = vector.broadcast %broadcast_in_dim3A_143 : f32 to vector<16xf32>
      %broadcast_in_dim3A_145 = arith.constant 0.000000e+00 : f32
      %broadcast_in_dim3A_146 = vector.broadcast %broadcast_in_dim3A_145 : f32 to vector<16xf32>
      %broadcast_in_dim3A_147 = arith.constant 0.000000e+00 : f32
      %broadcast_in_dim3A_148 = vector.broadcast %broadcast_in_dim3A_147 : f32 to vector<16xf32>
      %scan3A_149 = arith.constant 0 : i32
      %scan3A_150 = arith.constant 50 : i32
      %scan3A_151 = arith.addi %scan3A_149, %scan3A_150 : i32
      %scan3A_152 = arith.constant 1 : i32
      %scan3A_153:8 = scf.for %scan3A_818 = %scan3A_149 to %scan3A_151 step %scan3A_152 iter_args(%scan3A_819 = %broadcast_in_dim3A_134, %scan3A_820 = %broadcast_in_dim3A_136, %scan3A_821 = %broadcast_in_dim3A_138, %scan3A_822 = %broadcast_in_dim3A_140, %scan3A_823 = %broadcast_in_dim3A_142, %scan3A_824 = %broadcast_in_dim3A_144, %scan3A_825 = %broadcast_in_dim3A_146, %scan3A_826 = %broadcast_in_dim3A_148) -> (vector<16xf32>, vector<16xf32>, vector<16xf32>, vector<16xf32>, vector<16xf32>, vector<16xf32>, vector<16xf32>, vector<16xf32>)  : i32 {
        %add3A_827 = arith.constant 50 : i32
        %add3A_828 = arith.addi %add3A_827, %scan3A_818 : i32
        %get3A = arith.index_cast %add3A_828 : i32 to index
        %get3A_829 = arith.constant 0 : index
        %get3A_830 = tpu.vector_load %arg6[%get3A, %get3A_829] {strides = array<i32>} : memref<100x128xf32, #tpu.memory_space<vmem>>, vector<1x16xf32>,
        %get3A_831 = vector.shape_cast %get3A_830 : vector<1x16xf32> to vector<16xf32>
        %add3A_832 = arith.addf %scan3A_819, %get3A_831 : vector<16xf32>
        %add3A_833 = arith.constant 50 : i32
        %add3A_834 = arith.addi %add3A_833, %scan3A_818 : i32
        %get3A_835 = arith.index_cast %add3A_834 : i32 to index
        %get3A_836 = arith.constant 16 : index
        %get3A_837 = tpu.vector_load %arg6[%get3A_835, %get3A_836] {strides = array<i32>} : memref<100x128xf32, #tpu.memory_space<vmem>>, vector<1x16xf32>,
        %get3A_838 = vector.shape_cast %get3A_837 : vector<1x16xf32> to vector<16xf32>
        %add3A_839 = arith.addf %scan3A_820, %get3A_838 : vector<16xf32>
        %add3A_840 = arith.constant 50 : i32
        %add3A_841 = arith.addi %add3A_840, %scan3A_818 : i32
        %get3A_842 = arith.index_cast %add3A_841 : i32 to index
        %get3A_843 = arith.constant 32 : index
        %get3A_844 = tpu.vector_load %arg6[%get3A_842, %get3A_843] {strides = array<i32>} : memref<100x128xf32, #tpu.memory_space<vmem>>, vector<1x16xf32>,
        %get3A_845 = vector.shape_cast %get3A_844 : vector<1x16xf32> to vector<16xf32>
        %add3A_846 = arith.addf %scan3A_821, %get3A_845 : vector<16xf32>
        %add3A_847 = arith.constant 50 : i32
        %add3A_848 = arith.addi %add3A_847, %scan3A_818 : i32
        %get3A_849 = arith.index_cast %add3A_848 : i32 to index
        %get3A_850 = arith.constant 48 : index
        %get3A_851 = tpu.vector_load %arg6[%get3A_849, %get3A_850] {strides = array<i32>} : memref<100x128xf32, #tpu.memory_space<vmem>>, vector<1x16xf32>,
        %get3A_852 = vector.shape_cast %get3A_851 : vector<1x16xf32> to vector<16xf32>
        %add3A_853 = arith.addf %scan3A_822, %get3A_852 : vector<16xf32>
        %add3A_854 = arith.constant 50 : i32
        %add3A_855 = arith.addi %add3A_854, %scan3A_818 : i32
        %get3A_856 = arith.index_cast %add3A_855 : i32 to index
        %get3A_857 = arith.constant 64 : index
        %get3A_858 = tpu.vector_load %arg6[%get3A_856, %get3A_857] {strides = array<i32>} : memref<100x128xf32, #tpu.memory_space<vmem>>, vector<1x16xf32>,
        %get3A_859 = vector.shape_cast %get3A_858 : vector<1x16xf32> to vector<16xf32>
        %add3A_860 = arith.addf %scan3A_823, %get3A_859 : vector<16xf32>
        %add3A_861 = arith.constant 50 : i32
        %add3A_862 = arith.addi %add3A_861, %scan3A_818 : i32
        %get3A_863 = arith.index_cast %add3A_862 : i32 to index
        %get3A_864 = arith.constant 80 : index
        %get3A_865 = tpu.vector_load %arg6[%get3A_863, %get3A_864] {strides = array<i32>} : memref<100x128xf32, #tpu.memory_space<vmem>>, vector<1x16xf32>,
        %get3A_866 = vector.shape_cast %get3A_865 : vector<1x16xf32> to vector<16xf32>
        %add3A_867 = arith.addf %scan3A_824, %get3A_866 : vector<16xf32>
        %add3A_868 = arith.constant 50 : i32
        %add3A_869 = arith.addi %add3A_868, %scan3A_818 : i32
        %get3A_870 = arith.index_cast %add3A_869 : i32 to index
        %get3A_871 = arith.constant 96 : index
        %get3A_872 = tpu.vector_load %arg6[%get3A_870, %get3A_871] {strides = array<i32>} : memref<100x128xf32, #tpu.memory_space<vmem>>, vector<1x16xf32>,
        %get3A_873 = vector.shape_cast %get3A_872 : vector<1x16xf32> to vector<16xf32>
        %add3A_874 = arith.addf %scan3A_825, %get3A_873 : vector<16xf32>
        %add3A_875 = arith.constant 50 : i32
        %add3A_876 = arith.addi %add3A_875, %scan3A_818 : i32
        %get3A_877 = arith.index_cast %add3A_876 : i32 to index
        %get3A_878 = arith.constant 112 : index
        %get3A_879 = tpu.vector_load %arg6[%get3A_877, %get3A_878] {strides = array<i32>} : memref<100x128xf32, #tpu.memory_space<vmem>>, vector<1x16xf32>,
        %get3A_880 = vector.shape_cast %get3A_879 : vector<1x16xf32> to vector<16xf32>
        %add3A_881 = arith.addf %scan3A_826, %get3A_880 : vector<16xf32>
        scf.yield %add3A_832, %add3A_839, %add3A_846, %add3A_853, %add3A_860, %add3A_867, %add3A_874, %add3A_881 : vector<16xf32>, vector<16xf32>, vector<16xf32>, vector<16xf32>, vector<16xf32>, vector<16xf32>, vector<16xf32>, vector<16xf32>
      }
      %scan3A_154 = arith.constant 50 : i32
      %mul3A_155 = arith.constant 2 : i32
      %mul3A_156 = arith.muli %add3A_39, %mul3A_155 : i32
      %add3A_157 = arith.constant 1 : i32
      %add3A_158 = arith.addi %mul3A_156, %add3A_157 : i32
      %mul3A_159 = arith.constant 2.000000e-02 : f32
      %mul3A_160 = vector.broadcast %mul3A_159 : f32 to vector<16xf32>
      %mul3A_161 = arith.mulf %scan3A_153#0, %mul3A_160 : vector<16xf32>
      %swap3A_162 = arith.index_cast %add3A_158 : i32 to index
      %swap3A_163 = arith.constant 0 : index
      %swap3A_164 = tpu.vector_load %arg10[%swap3A_162, %swap3A_163] {strides = array<i32>} : memref<128x128xf32, #tpu.memory_space<vmem>>, vector<1x16xf32>,
      %swap3A_165 = vector.shape_cast %swap3A_164 : vector<1x16xf32> to vector<16xf32>
      %swap3A_166 = vector.shape_cast %mul3A_161 : vector<16xf32> to vector<1x16xf32>
      tpu.vector_store %arg10[%swap3A_162, %swap3A_163], %swap3A_166 {strides = array<i32>} : memref<128x128xf32, #tpu.memory_space<vmem>>, vector<1x16xf32>,
      %mul3A_167 = arith.constant 2.000000e-02 : f32
      %mul3A_168 = vector.broadcast %mul3A_167 : f32 to vector<16xf32>
      %mul3A_169 = arith.mulf %scan3A_153#1, %mul3A_168 : vector<16xf32>
      %swap3A_170 = arith.index_cast %add3A_158 : i32 to index
      %swap3A_171 = arith.constant 16 : index
      %swap3A_172 = tpu.vector_load %arg10[%swap3A_170, %swap3A_171] {strides = array<i32>} : memref<128x128xf32, #tpu.memory_space<vmem>>, vector<1x16xf32>,
      %swap3A_173 = vector.shape_cast %swap3A_172 : vector<1x16xf32> to vector<16xf32>
      %swap3A_174 = vector.shape_cast %mul3A_169 : vector<16xf32> to vector<1x16xf32>
      tpu.vector_store %arg10[%swap3A_170, %swap3A_171], %swap3A_174 {strides = array<i32>} : memref<128x128xf32, #tpu.memory_space<vmem>>, vector<1x16xf32>,
      %mul3A_175 = arith.constant 2.000000e-02 : f32
      %mul3A_176 = vector.broadcast %mul3A_175 : f32 to vector<16xf32>
      %mul3A_177 = arith.mulf %scan3A_153#2, %mul3A_176 : vector<16xf32>
      %swap3A_178 = arith.index_cast %add3A_158 : i32 to index
      %swap3A_179 = arith.constant 32 : index
      %swap3A_180 = tpu.vector_load %arg10[%swap3A_178, %swap3A_179] {strides = array<i32>} : memref<128x128xf32, #tpu.memory_space<vmem>>, vector<1x16xf32>,
      %swap3A_181 = vector.shape_cast %swap3A_180 : vector<1x16xf32> to vector<16xf32>
      %swap3A_182 = vector.shape_cast %mul3A_177 : vector<16xf32> to vector<1x16xf32>
      tpu.vector_store %arg10[%swap3A_178, %swap3A_179], %swap3A_182 {strides = array<i32>} : memref<128x128xf32, #tpu.memory_space<vmem>>, vector<1x16xf32>,
      %mul3A_183 = arith.constant 2.000000e-02 : f32
      %mul3A_184 = vector.broadcast %mul3A_183 : f32 to vector<16xf32>
      %mul3A_185 = arith.mulf %scan3A_153#3, %mul3A_184 : vector<16xf32>
      %swap3A_186 = arith.index_cast %add3A_158 : i32 to index
      %swap3A_187 = arith.constant 48 : index
      %swap3A_188 = tpu.vector_load %arg10[%swap3A_186, %swap3A_187] {strides = array<i32>} : memref<128x128xf32, #tpu.memory_space<vmem>>, vector<1x16xf32>,
      %swap3A_189 = vector.shape_cast %swap3A_188 : vector<1x16xf32> to vector<16xf32>
      %swap3A_190 = vector.shape_cast %mul3A_185 : vector<16xf32> to vector<1x16xf32>
      tpu.vector_store %arg10[%swap3A_186, %swap3A_187], %swap3A_190 {strides = array<i32>} : memref<128x128xf32, #tpu.memory_space<vmem>>, vector<1x16xf32>,
      %mul3A_191 = arith.constant 2.000000e-02 : f32
      %mul3A_192 = vector.broadcast %mul3A_191 : f32 to vector<16xf32>
      %mul3A_193 = arith.mulf %scan3A_153#4, %mul3A_192 : vector<16xf32>
      %swap3A_194 = arith.index_cast %add3A_158 : i32 to index
      %swap3A_195 = arith.constant 64 : index
      %swap3A_196 = tpu.vector_load %arg10[%swap3A_194, %swap3A_195] {strides = array<i32>} : memref<128x128xf32, #tpu.memory_space<vmem>>, vector<1x16xf32>,
      %swap3A_197 = vector.shape_cast %swap3A_196 : vector<1x16xf32> to vector<16xf32>
      %swap3A_198 = vector.shape_cast %mul3A_193 : vector<16xf32> to vector<1x16xf32>
      tpu.vector_store %arg10[%swap3A_194, %swap3A_195], %swap3A_198 {strides = array<i32>} : memref<128x128xf32, #tpu.memory_space<vmem>>, vector<1x16xf32>,
      %mul3A_199 = arith.constant 2.000000e-02 : f32
      %mul3A_200 = vector.broadcast %mul3A_199 : f32 to vector<16xf32>
      %mul3A_201 = arith.mulf %scan3A_153#5, %mul3A_200 : vector<16xf32>
      %swap3A_202 = arith.index_cast %add3A_158 : i32 to index
      %swap3A_203 = arith.constant 80 : index
      %swap3A_204 = tpu.vector_load %arg10[%swap3A_202, %swap3A_203] {strides = array<i32>} : memref<128x128xf32, #tpu.memory_space<vmem>>, vector<1x16xf32>,
      %swap3A_205 = vector.shape_cast %swap3A_204 : vector<1x16xf32> to vector<16xf32>
      %swap3A_206 = vector.shape_cast %mul3A_201 : vector<16xf32> to vector<1x16xf32>
      tpu.vector_store %arg10[%swap3A_202, %swap3A_203], %swap3A_206 {strides = array<i32>} : memref<128x128xf32, #tpu.memory_space<vmem>>, vector<1x16xf32>,
      %mul3A_207 = arith.constant 2.000000e-02 : f32
      %mul3A_208 = vector.broadcast %mul3A_207 : f32 to vector<16xf32>
      %mul3A_209 = arith.mulf %scan3A_153#6, %mul3A_208 : vector<16xf32>
      %swap3A_210 = arith.index_cast %add3A_158 : i32 to index
      %swap3A_211 = arith.constant 96 : index
      %swap3A_212 = tpu.vector_load %arg10[%swap3A_210, %swap3A_211] {strides = array<i32>} : memref<128x128xf32, #tpu.memory_space<vmem>>, vector<1x16xf32>,
      %swap3A_213 = vector.shape_cast %swap3A_212 : vector<1x16xf32> to vector<16xf32>
      %swap3A_214 = vector.shape_cast %mul3A_209 : vector<16xf32> to vector<1x16xf32>
      tpu.vector_store %arg10[%swap3A_210, %swap3A_211], %swap3A_214 {strides = array<i32>} : memref<128x128xf32, #tpu.memory_space<vmem>>, vector<1x16xf32>,
      %mul3A_215 = arith.constant 2.000000e-02 : f32
      %mul3A_216 = vector.broadcast %mul3A_215 : f32 to vector<16xf32>
      %mul3A_217 = arith.mulf %scan3A_153#7, %mul3A_216 : vector<16xf32>
      %swap3A_218 = arith.index_cast %add3A_158 : i32 to index
      %swap3A_219 = arith.constant 112 : index
      %swap3A_220 = tpu.vector_load %arg10[%swap3A_218, %swap3A_219] {strides = array<i32>} : memref<128x128xf32, #tpu.memory_space<vmem>>, vector<1x16xf32>,
      %swap3A_221 = vector.shape_cast %swap3A_220 : vector<1x16xf32> to vector<16xf32>
      %swap3A_222 = vector.shape_cast %mul3A_217 : vector<16xf32> to vector<1x16xf32>
      tpu.vector_store %arg10[%swap3A_218, %swap3A_219], %swap3A_222 {strides = array<i32>} : memref<128x128xf32, #tpu.memory_space<vmem>>, vector<1x16xf32>,
      %add3A_223 = arith.constant 4 : i32
      %add3A_224 = arith.addi %add3A_39, %add3A_223 : i32
      %lt3A = arith.constant 64 : i32
      %lt3A_225 = arith.cmpi slt, %add3A_224, %lt3A : i32
      %convert_element_type3A = arith.extui %lt3A_225 : i1 to i32
      %cond3A = arith.constant 0 : i32
      %cond3A_226 = arith.cmpi ne, %convert_element_type3A, %cond3A : i32
      scf.if %cond3A_226 {
        %dma_start3A_818 = arith.constant 0 : i32
        %dma_start3A_819 = tpu.memref_slice %arg5[%add3A_224, %dma_start3A_818] : memref<64x100xi32, #tpu.memory_space<vmem>> -> memref<1x100xi32, #tpu.memory_space<vmem>>
        %dma_start3A_820 = tpu.memref_squeeze %dma_start3A_819 : memref<1x100xi32, #tpu.memory_space<vmem>> -> memref<100xi32, #tpu.memory_space<vmem>>
        %dma_start3A_821 = arith.constant 0 : i32
        %dma_start3A_822 = arith.constant 0 : i32
        %dma_start3A_823 = tpu.memref_slice %arg3[%dma_start3A_821, %dma_start3A_822] : memref<1000000x128xf32, #tpu.memory_space<hbm>> -> memref<1000000x128xf32, #tpu.memory_space<hbm>>
        tpu.enqueue_indirect_dma source(%dma_start3A_823 : memref<1000000x128xf32, #tpu.memory_space<hbm>>) target(%arg6 : memref<100x128xf32, #tpu.memory_space<vmem>>) offsets(%dma_start3A_820 : memref<100xi32, #tpu.memory_space<vmem>>) semaphore(%arg11 : memref<!tpu.dma_semaphore, #tpu.memory_space<semaphore_mem>>)
      } else {
      }
      %mul3A_227 = arith.constant 4 : i32
      %mul3A_228 = arith.muli %mul3A_227, %scan3A_35 : i32
      %add3A_229 = arith.constant 1 : i32
      %add3A_230 = arith.addi %mul3A_228, %add3A_229 : i32
      %dma_wait3A_231 = arith.constant 0 : i32
      %dma_wait3A_232 = tpu.memref_slice %arg5[%add3A_230, %dma_wait3A_231] : memref<64x100xi32, #tpu.memory_space<vmem>> -> memref<1x100xi32, #tpu.memory_space<vmem>>
      %dma_wait3A_233 = tpu.memref_squeeze %dma_wait3A_232 : memref<1x100xi32, #tpu.memory_space<vmem>> -> memref<100xi32, #tpu.memory_space<vmem>>
      %dma_wait3A_234 = arith.constant 0 : i32
      %dma_wait3A_235 = arith.constant 0 : i32
      %dma_wait3A_236 = tpu.memref_slice %arg3[%dma_wait3A_234, %dma_wait3A_235] : memref<1000000x128xf32, #tpu.memory_space<hbm>> -> memref<1000000x128xf32, #tpu.memory_space<hbm>>
      tpu.wait_indirect_dma semaphore(%arg12 : memref<!tpu.dma_semaphore, #tpu.memory_space<semaphore_mem>>) src(%dma_wait3A_236 : memref<1000000x128xf32, #tpu.memory_space<hbm>>) dst(%arg7 : memref<100x128xf32, #tpu.memory_space<vmem>>)
      %broadcast_in_dim3A_237 = arith.constant 0.000000e+00 : f32
      %broadcast_in_dim3A_238 = vector.broadcast %broadcast_in_dim3A_237 : f32 to vector<16xf32>
      %broadcast_in_dim3A_239 = arith.constant 0.000000e+00 : f32
      %broadcast_in_dim3A_240 = vector.broadcast %broadcast_in_dim3A_239 : f32 to vector<16xf32>
      %broadcast_in_dim3A_241 = arith.constant 0.000000e+00 : f32
      %broadcast_in_dim3A_242 = vector.broadcast %broadcast_in_dim3A_241 : f32 to vector<16xf32>
      %broadcast_in_dim3A_243 = arith.constant 0.000000e+00 : f32
      %broadcast_in_dim3A_244 = vector.broadcast %broadcast_in_dim3A_243 : f32 to vector<16xf32>
      %broadcast_in_dim3A_245 = arith.constant 0.000000e+00 : f32
      %broadcast_in_dim3A_246 = vector.broadcast %broadcast_in_dim3A_245 : f32 to vector<16xf32>
      %broadcast_in_dim3A_247 = arith.constant 0.000000e+00 : f32
      %broadcast_in_dim3A_248 = vector.broadcast %broadcast_in_dim3A_247 : f32 to vector<16xf32>
      %broadcast_in_dim3A_249 = arith.constant 0.000000e+00 : f32
      %broadcast_in_dim3A_250 = vector.broadcast %broadcast_in_dim3A_249 : f32 to vector<16xf32>
      %broadcast_in_dim3A_251 = arith.constant 0.000000e+00 : f32
      %broadcast_in_dim3A_252 = vector.broadcast %broadcast_in_dim3A_251 : f32 to vector<16xf32>
      %scan3A_253 = arith.constant 0 : i32
      %scan3A_254 = arith.constant 50 : i32
      %scan3A_255 = arith.addi %scan3A_253, %scan3A_254 : i32
      %scan3A_256 = arith.constant 1 : i32
      %scan3A_257:8 = scf.for %scan3A_818 = %scan3A_253 to %scan3A_255 step %scan3A_256 iter_args(%scan3A_819 = %broadcast_in_dim3A_238, %scan3A_820 = %broadcast_in_dim3A_240, %scan3A_821 = %broadcast_in_dim3A_242, %scan3A_822 = %broadcast_in_dim3A_244, %scan3A_823 = %broadcast_in_dim3A_246, %scan3A_824 = %broadcast_in_dim3A_248, %scan3A_825 = %broadcast_in_dim3A_250, %scan3A_826 = %broadcast_in_dim3A_252) -> (vector<16xf32>, vector<16xf32>, vector<16xf32>, vector<16xf32>, vector<16xf32>, vector<16xf32>, vector<16xf32>, vector<16xf32>)  : i32 {
        %add3A_827 = arith.constant 0 : i32
        %add3A_828 = arith.addi %add3A_827, %scan3A_818 : i32
        %get3A = arith.index_cast %add3A_828 : i32 to index
        %get3A_829 = arith.constant 0 : index
        %get3A_830 = tpu.vector_load %arg7[%get3A, %get3A_829] {strides = array<i32>} : memref<100x128xf32, #tpu.memory_space<vmem>>, vector<1x16xf32>,
        %get3A_831 = vector.shape_cast %get3A_830 : vector<1x16xf32> to vector<16xf32>
        %add3A_832 = arith.addf %scan3A_819, %get3A_831 : vector<16xf32>
        %add3A_833 = arith.constant 0 : i32
        %add3A_834 = arith.addi %add3A_833, %scan3A_818 : i32
        %get3A_835 = arith.index_cast %add3A_834 : i32 to index
        %get3A_836 = arith.constant 16 : index
        %get3A_837 = tpu.vector_load %arg7[%get3A_835, %get3A_836] {strides = array<i32>} : memref<100x128xf32, #tpu.memory_space<vmem>>, vector<1x16xf32>,
        %get3A_838 = vector.shape_cast %get3A_837 : vector<1x16xf32> to vector<16xf32>
        %add3A_839 = arith.addf %scan3A_820, %get3A_838 : vector<16xf32>
        %add3A_840 = arith.constant 0 : i32
        %add3A_841 = arith.addi %add3A_840, %scan3A_818 : i32
        %get3A_842 = arith.index_cast %add3A_841 : i32 to index
        %get3A_843 = arith.constant 32 : index
        %get3A_844 = tpu.vector_load %arg7[%get3A_842, %get3A_843] {strides = array<i32>} : memref<100x128xf32, #tpu.memory_space<vmem>>, vector<1x16xf32>,
        %get3A_845 = vector.shape_cast %get3A_844 : vector<1x16xf32> to vector<16xf32>
        %add3A_846 = arith.addf %scan3A_821, %get3A_845 : vector<16xf32>
        %add3A_847 = arith.constant 0 : i32
        %add3A_848 = arith.addi %add3A_847, %scan3A_818 : i32
        %get3A_849 = arith.index_cast %add3A_848 : i32 to index
        %get3A_850 = arith.constant 48 : index
        %get3A_851 = tpu.vector_load %arg7[%get3A_849, %get3A_850] {strides = array<i32>} : memref<100x128xf32, #tpu.memory_space<vmem>>, vector<1x16xf32>,
        %get3A_852 = vector.shape_cast %get3A_851 : vector<1x16xf32> to vector<16xf32>
        %add3A_853 = arith.addf %scan3A_822, %get3A_852 : vector<16xf32>
        %add3A_854 = arith.constant 0 : i32
        %add3A_855 = arith.addi %add3A_854, %scan3A_818 : i32
        %get3A_856 = arith.index_cast %add3A_855 : i32 to index
        %get3A_857 = arith.constant 64 : index
        %get3A_858 = tpu.vector_load %arg7[%get3A_856, %get3A_857] {strides = array<i32>} : memref<100x128xf32, #tpu.memory_space<vmem>>, vector<1x16xf32>,
        %get3A_859 = vector.shape_cast %get3A_858 : vector<1x16xf32> to vector<16xf32>
        %add3A_860 = arith.addf %scan3A_823, %get3A_859 : vector<16xf32>
        %add3A_861 = arith.constant 0 : i32
        %add3A_862 = arith.addi %add3A_861, %scan3A_818 : i32
        %get3A_863 = arith.index_cast %add3A_862 : i32 to index
        %get3A_864 = arith.constant 80 : index
        %get3A_865 = tpu.vector_load %arg7[%get3A_863, %get3A_864] {strides = array<i32>} : memref<100x128xf32, #tpu.memory_space<vmem>>, vector<1x16xf32>,
        %get3A_866 = vector.shape_cast %get3A_865 : vector<1x16xf32> to vector<16xf32>
        %add3A_867 = arith.addf %scan3A_824, %get3A_866 : vector<16xf32>
        %add3A_868 = arith.constant 0 : i32
        %add3A_869 = arith.addi %add3A_868, %scan3A_818 : i32
        %get3A_870 = arith.index_cast %add3A_869 : i32 to index
        %get3A_871 = arith.constant 96 : index
        %get3A_872 = tpu.vector_load %arg7[%get3A_870, %get3A_871] {strides = array<i32>} : memref<100x128xf32, #tpu.memory_space<vmem>>, vector<1x16xf32>,
        %get3A_873 = vector.shape_cast %get3A_872 : vector<1x16xf32> to vector<16xf32>
        %add3A_874 = arith.addf %scan3A_825, %get3A_873 : vector<16xf32>
        %add3A_875 = arith.constant 0 : i32
        %add3A_876 = arith.addi %add3A_875, %scan3A_818 : i32
        %get3A_877 = arith.index_cast %add3A_876 : i32 to index
        %get3A_878 = arith.constant 112 : index
        %get3A_879 = tpu.vector_load %arg7[%get3A_877, %get3A_878] {strides = array<i32>} : memref<100x128xf32, #tpu.memory_space<vmem>>, vector<1x16xf32>,
        %get3A_880 = vector.shape_cast %get3A_879 : vector<1x16xf32> to vector<16xf32>
        %add3A_881 = arith.addf %scan3A_826, %get3A_880 : vector<16xf32>
        scf.yield %add3A_832, %add3A_839, %add3A_846, %add3A_853, %add3A_860, %add3A_867, %add3A_874, %add3A_881 : vector<16xf32>, vector<16xf32>, vector<16xf32>, vector<16xf32>, vector<16xf32>, vector<16xf32>, vector<16xf32>, vector<16xf32>
      }
      %scan3A_258 = arith.constant 50 : i32
      %mul3A_259 = arith.constant 2 : i32
      %mul3A_260 = arith.muli %add3A_230, %mul3A_259 : i32
      %add3A_261 = arith.constant 0 : i32
      %add3A_262 = arith.addi %mul3A_260, %add3A_261 : i32
      %mul3A_263 = arith.constant 2.000000e-02 : f32
      %mul3A_264 = vector.broadcast %mul3A_263 : f32 to vector<16xf32>
      %mul3A_265 = arith.mulf %scan3A_257#0, %mul3A_264 : vector<16xf32>
      %swap3A_266 = arith.index_cast %add3A_262 : i32 to index
      %swap3A_267 = arith.constant 0 : index
      %swap3A_268 = tpu.vector_load %arg10[%swap3A_266, %swap3A_267] {strides = array<i32>} : memref<128x128xf32, #tpu.memory_space<vmem>>, vector<1x16xf32>,
      %swap3A_269 = vector.shape_cast %swap3A_268 : vector<1x16xf32> to vector<16xf32>
      %swap3A_270 = vector.shape_cast %mul3A_265 : vector<16xf32> to vector<1x16xf32>
      tpu.vector_store %arg10[%swap3A_266, %swap3A_267], %swap3A_270 {strides = array<i32>} : memref<128x128xf32, #tpu.memory_space<vmem>>, vector<1x16xf32>,
      %mul3A_271 = arith.constant 2.000000e-02 : f32
      %mul3A_272 = vector.broadcast %mul3A_271 : f32 to vector<16xf32>
      %mul3A_273 = arith.mulf %scan3A_257#1, %mul3A_272 : vector<16xf32>
      %swap3A_274 = arith.index_cast %add3A_262 : i32 to index
      %swap3A_275 = arith.constant 16 : index
      %swap3A_276 = tpu.vector_load %arg10[%swap3A_274, %swap3A_275] {strides = array<i32>} : memref<128x128xf32, #tpu.memory_space<vmem>>, vector<1x16xf32>,
      %swap3A_277 = vector.shape_cast %swap3A_276 : vector<1x16xf32> to vector<16xf32>
      %swap3A_278 = vector.shape_cast %mul3A_273 : vector<16xf32> to vector<1x16xf32>
      tpu.vector_store %arg10[%swap3A_274, %swap3A_275], %swap3A_278 {strides = array<i32>} : memref<128x128xf32, #tpu.memory_space<vmem>>, vector<1x16xf32>,
      %mul3A_279 = arith.constant 2.000000e-02 : f32
      %mul3A_280 = vector.broadcast %mul3A_279 : f32 to vector<16xf32>
      %mul3A_281 = arith.mulf %scan3A_257#2, %mul3A_280 : vector<16xf32>
      %swap3A_282 = arith.index_cast %add3A_262 : i32 to index
      %swap3A_283 = arith.constant 32 : index
      %swap3A_284 = tpu.vector_load %arg10[%swap3A_282, %swap3A_283] {strides = array<i32>} : memref<128x128xf32, #tpu.memory_space<vmem>>, vector<1x16xf32>,
      %swap3A_285 = vector.shape_cast %swap3A_284 : vector<1x16xf32> to vector<16xf32>
      %swap3A_286 = vector.shape_cast %mul3A_281 : vector<16xf32> to vector<1x16xf32>
      tpu.vector_store %arg10[%swap3A_282, %swap3A_283], %swap3A_286 {strides = array<i32>} : memref<128x128xf32, #tpu.memory_space<vmem>>, vector<1x16xf32>,
      %mul3A_287 = arith.constant 2.000000e-02 : f32
      %mul3A_288 = vector.broadcast %mul3A_287 : f32 to vector<16xf32>
      %mul3A_289 = arith.mulf %scan3A_257#3, %mul3A_288 : vector<16xf32>
      %swap3A_290 = arith.index_cast %add3A_262 : i32 to index
      %swap3A_291 = arith.constant 48 : index
      %swap3A_292 = tpu.vector_load %arg10[%swap3A_290, %swap3A_291] {strides = array<i32>} : memref<128x128xf32, #tpu.memory_space<vmem>>, vector<1x16xf32>,
      %swap3A_293 = vector.shape_cast %swap3A_292 : vector<1x16xf32> to vector<16xf32>
      %swap3A_294 = vector.shape_cast %mul3A_289 : vector<16xf32> to vector<1x16xf32>
      tpu.vector_store %arg10[%swap3A_290, %swap3A_291], %swap3A_294 {strides = array<i32>} : memref<128x128xf32, #tpu.memory_space<vmem>>, vector<1x16xf32>,
      %mul3A_295 = arith.constant 2.000000e-02 : f32
      %mul3A_296 = vector.broadcast %mul3A_295 : f32 to vector<16xf32>
      %mul3A_297 = arith.mulf %scan3A_257#4, %mul3A_296 : vector<16xf32>
      %swap3A_298 = arith.index_cast %add3A_262 : i32 to index
      %swap3A_299 = arith.constant 64 : index
      %swap3A_300 = tpu.vector_load %arg10[%swap3A_298, %swap3A_299] {strides = array<i32>} : memref<128x128xf32, #tpu.memory_space<vmem>>, vector<1x16xf32>,
      %swap3A_301 = vector.shape_cast %swap3A_300 : vector<1x16xf32> to vector<16xf32>
      %swap3A_302 = vector.shape_cast %mul3A_297 : vector<16xf32> to vector<1x16xf32>
      tpu.vector_store %arg10[%swap3A_298, %swap3A_299], %swap3A_302 {strides = array<i32>} : memref<128x128xf32, #tpu.memory_space<vmem>>, vector<1x16xf32>,
      %mul3A_303 = arith.constant 2.000000e-02 : f32
      %mul3A_304 = vector.broadcast %mul3A_303 : f32 to vector<16xf32>
      %mul3A_305 = arith.mulf %scan3A_257#5, %mul3A_304 : vector<16xf32>
      %swap3A_306 = arith.index_cast %add3A_262 : i32 to index
      %swap3A_307 = arith.constant 80 : index
      %swap3A_308 = tpu.vector_load %arg10[%swap3A_306, %swap3A_307] {strides = array<i32>} : memref<128x128xf32, #tpu.memory_space<vmem>>, vector<1x16xf32>,
      %swap3A_309 = vector.shape_cast %swap3A_308 : vector<1x16xf32> to vector<16xf32>
      %swap3A_310 = vector.shape_cast %mul3A_305 : vector<16xf32> to vector<1x16xf32>
      tpu.vector_store %arg10[%swap3A_306, %swap3A_307], %swap3A_310 {strides = array<i32>} : memref<128x128xf32, #tpu.memory_space<vmem>>, vector<1x16xf32>,
      %mul3A_311 = arith.constant 2.000000e-02 : f32
      %mul3A_312 = vector.broadcast %mul3A_311 : f32 to vector<16xf32>
      %mul3A_313 = arith.mulf %scan3A_257#6, %mul3A_312 : vector<16xf32>
      %swap3A_314 = arith.index_cast %add3A_262 : i32 to index
      %swap3A_315 = arith.constant 96 : index
      %swap3A_316 = tpu.vector_load %arg10[%swap3A_314, %swap3A_315] {strides = array<i32>} : memref<128x128xf32, #tpu.memory_space<vmem>>, vector<1x16xf32>,
      %swap3A_317 = vector.shape_cast %swap3A_316 : vector<1x16xf32> to vector<16xf32>
      %swap3A_318 = vector.shape_cast %mul3A_313 : vector<16xf32> to vector<1x16xf32>
      tpu.vector_store %arg10[%swap3A_314, %swap3A_315], %swap3A_318 {strides = array<i32>} : memref<128x128xf32, #tpu.memory_space<vmem>>, vector<1x16xf32>,
      %mul3A_319 = arith.constant 2.000000e-02 : f32
      %mul3A_320 = vector.broadcast %mul3A_319 : f32 to vector<16xf32>
      %mul3A_321 = arith.mulf %scan3A_257#7, %mul3A_320 : vector<16xf32>
      %swap3A_322 = arith.index_cast %add3A_262 : i32 to index
      %swap3A_323 = arith.constant 112 : index
      %swap3A_324 = tpu.vector_load %arg10[%swap3A_322, %swap3A_323] {strides = array<i32>} : memref<128x128xf32, #tpu.memory_space<vmem>>, vector<1x16xf32>,
      %swap3A_325 = vector.shape_cast %swap3A_324 : vector<1x16xf32> to vector<16xf32>
      %swap3A_326 = vector.shape_cast %mul3A_321 : vector<16xf32> to vector<1x16xf32>
      tpu.vector_store %arg10[%swap3A_322, %swap3A_323], %swap3A_326 {strides = array<i32>} : memref<128x128xf32, #tpu.memory_space<vmem>>, vector<1x16xf32>,
      %broadcast_in_dim3A_327 = arith.constant 0.000000e+00 : f32
      %broadcast_in_dim3A_328 = vector.broadcast %broadcast_in_dim3A_327 : f32 to vector<16xf32>
      %broadcast_in_dim3A_329 = arith.constant 0.000000e+00 : f32
      %broadcast_in_dim3A_330 = vector.broadcast %broadcast_in_dim3A_329 : f32 to vector<16xf32>
      %broadcast_in_dim3A_331 = arith.constant 0.000000e+00 : f32
      %broadcast_in_dim3A_332 = vector.broadcast %broadcast_in_dim3A_331 : f32 to vector<16xf32>
      %broadcast_in_dim3A_333 = arith.constant 0.000000e+00 : f32
      %broadcast_in_dim3A_334 = vector.broadcast %broadcast_in_dim3A_333 : f32 to vector<16xf32>
      %broadcast_in_dim3A_335 = arith.constant 0.000000e+00 : f32
      %broadcast_in_dim3A_336 = vector.broadcast %broadcast_in_dim3A_335 : f32 to vector<16xf32>
      %broadcast_in_dim3A_337 = arith.constant 0.000000e+00 : f32
      %broadcast_in_dim3A_338 = vector.broadcast %broadcast_in_dim3A_337 : f32 to vector<16xf32>
      %broadcast_in_dim3A_339 = arith.constant 0.000000e+00 : f32
      %broadcast_in_dim3A_340 = vector.broadcast %broadcast_in_dim3A_339 : f32 to vector<16xf32>
      %broadcast_in_dim3A_341 = arith.constant 0.000000e+00 : f32
      %broadcast_in_dim3A_342 = vector.broadcast %broadcast_in_dim3A_341 : f32 to vector<16xf32>
      %scan3A_343 = arith.constant 0 : i32
      %scan3A_344 = arith.constant 50 : i32
      %scan3A_345 = arith.addi %scan3A_343, %scan3A_344 : i32
      %scan3A_346 = arith.constant 1 : i32
      %scan3A_347:8 = scf.for %scan3A_818 = %scan3A_343 to %scan3A_345 step %scan3A_346 iter_args(%scan3A_819 = %broadcast_in_dim3A_328, %scan3A_820 = %broadcast_in_dim3A_330, %scan3A_821 = %broadcast_in_dim3A_332, %scan3A_822 = %broadcast_in_dim3A_334, %scan3A_823 = %broadcast_in_dim3A_336, %scan3A_824 = %broadcast_in_dim3A_338, %scan3A_825 = %broadcast_in_dim3A_340, %scan3A_826 = %broadcast_in_dim3A_342) -> (vector<16xf32>, vector<16xf32>, vector<16xf32>, vector<16xf32>, vector<16xf32>, vector<16xf32>, vector<16xf32>, vector<16xf32>)  : i32 {
        %add3A_827 = arith.constant 50 : i32
        %add3A_828 = arith.addi %add3A_827, %scan3A_818 : i32
        %get3A = arith.index_cast %add3A_828 : i32 to index
        %get3A_829 = arith.constant 0 : index
        %get3A_830 = tpu.vector_load %arg7[%get3A, %get3A_829] {strides = array<i32>} : memref<100x128xf32, #tpu.memory_space<vmem>>, vector<1x16xf32>,
        %get3A_831 = vector.shape_cast %get3A_830 : vector<1x16xf32> to vector<16xf32>
        %add3A_832 = arith.addf %scan3A_819, %get3A_831 : vector<16xf32>
        %add3A_833 = arith.constant 50 : i32
        %add3A_834 = arith.addi %add3A_833, %scan3A_818 : i32
        %get3A_835 = arith.index_cast %add3A_834 : i32 to index
        %get3A_836 = arith.constant 16 : index
        %get3A_837 = tpu.vector_load %arg7[%get3A_835, %get3A_836] {strides = array<i32>} : memref<100x128xf32, #tpu.memory_space<vmem>>, vector<1x16xf32>,
        %get3A_838 = vector.shape_cast %get3A_837 : vector<1x16xf32> to vector<16xf32>
        %add3A_839 = arith.addf %scan3A_820, %get3A_838 : vector<16xf32>
        %add3A_840 = arith.constant 50 : i32
        %add3A_841 = arith.addi %add3A_840, %scan3A_818 : i32
        %get3A_842 = arith.index_cast %add3A_841 : i32 to index
        %get3A_843 = arith.constant 32 : index
        %get3A_844 = tpu.vector_load %arg7[%get3A_842, %get3A_843] {strides = array<i32>} : memref<100x128xf32, #tpu.memory_space<vmem>>, vector<1x16xf32>,
        %get3A_845 = vector.shape_cast %get3A_844 : vector<1x16xf32> to vector<16xf32>
        %add3A_846 = arith.addf %scan3A_821, %get3A_845 : vector<16xf32>
        %add3A_847 = arith.constant 50 : i32
        %add3A_848 = arith.addi %add3A_847, %scan3A_818 : i32
        %get3A_849 = arith.index_cast %add3A_848 : i32 to index
        %get3A_850 = arith.constant 48 : index
        %get3A_851 = tpu.vector_load %arg7[%get3A_849, %get3A_850] {strides = array<i32>} : memref<100x128xf32, #tpu.memory_space<vmem>>, vector<1x16xf32>,
        %get3A_852 = vector.shape_cast %get3A_851 : vector<1x16xf32> to vector<16xf32>
        %add3A_853 = arith.addf %scan3A_822, %get3A_852 : vector<16xf32>
        %add3A_854 = arith.constant 50 : i32
        %add3A_855 = arith.addi %add3A_854, %scan3A_818 : i32
        %get3A_856 = arith.index_cast %add3A_855 : i32 to index
        %get3A_857 = arith.constant 64 : index
        %get3A_858 = tpu.vector_load %arg7[%get3A_856, %get3A_857] {strides = array<i32>} : memref<100x128xf32, #tpu.memory_space<vmem>>, vector<1x16xf32>,
        %get3A_859 = vector.shape_cast %get3A_858 : vector<1x16xf32> to vector<16xf32>
        %add3A_860 = arith.addf %scan3A_823, %get3A_859 : vector<16xf32>
        %add3A_861 = arith.constant 50 : i32
        %add3A_862 = arith.addi %add3A_861, %scan3A_818 : i32
        %get3A_863 = arith.index_cast %add3A_862 : i32 to index
        %get3A_864 = arith.constant 80 : index
        %get3A_865 = tpu.vector_load %arg7[%get3A_863, %get3A_864] {strides = array<i32>} : memref<100x128xf32, #tpu.memory_space<vmem>>, vector<1x16xf32>,
        %get3A_866 = vector.shape_cast %get3A_865 : vector<1x16xf32> to vector<16xf32>
        %add3A_867 = arith.addf %scan3A_824, %get3A_866 : vector<16xf32>
        %add3A_868 = arith.constant 50 : i32
        %add3A_869 = arith.addi %add3A_868, %scan3A_818 : i32
        %get3A_870 = arith.index_cast %add3A_869 : i32 to index
        %get3A_871 = arith.constant 96 : index
        %get3A_872 = tpu.vector_load %arg7[%get3A_870, %get3A_871] {strides = array<i32>} : memref<100x128xf32, #tpu.memory_space<vmem>>, vector<1x16xf32>,
        %get3A_873 = vector.shape_cast %get3A_872 : vector<1x16xf32> to vector<16xf32>
        %add3A_874 = arith.addf %scan3A_825, %get3A_873 : vector<16xf32>
        %add3A_875 = arith.constant 50 : i32
        %add3A_876 = arith.addi %add3A_875, %scan3A_818 : i32
        %get3A_877 = arith.index_cast %add3A_876 : i32 to index
        %get3A_878 = arith.constant 112 : index
        %get3A_879 = tpu.vector_load %arg7[%get3A_877, %get3A_878] {strides = array<i32>} : memref<100x128xf32, #tpu.memory_space<vmem>>, vector<1x16xf32>,
        %get3A_880 = vector.shape_cast %get3A_879 : vector<1x16xf32> to vector<16xf32>
        %add3A_881 = arith.addf %scan3A_826, %get3A_880 : vector<16xf32>
        scf.yield %add3A_832, %add3A_839, %add3A_846, %add3A_853, %add3A_860, %add3A_867, %add3A_874, %add3A_881 : vector<16xf32>, vector<16xf32>, vector<16xf32>, vector<16xf32>, vector<16xf32>, vector<16xf32>, vector<16xf32>, vector<16xf32>
      }
      %scan3A_348 = arith.constant 50 : i32
      %mul3A_349 = arith.constant 2 : i32
      %mul3A_350 = arith.muli %add3A_230, %mul3A_349 : i32
      %add3A_351 = arith.constant 1 : i32
      %add3A_352 = arith.addi %mul3A_350, %add3A_351 : i32
      %mul3A_353 = arith.constant 2.000000e-02 : f32
      %mul3A_354 = vector.broadcast %mul3A_353 : f32 to vector<16xf32>
      %mul3A_355 = arith.mulf %scan3A_347#0, %mul3A_354 : vector<16xf32>
      %swap3A_356 = arith.index_cast %add3A_352 : i32 to index
      %swap3A_357 = arith.constant 0 : index
      %swap3A_358 = tpu.vector_load %arg10[%swap3A_356, %swap3A_357] {strides = array<i32>} : memref<128x128xf32, #tpu.memory_space<vmem>>, vector<1x16xf32>,
      %swap3A_359 = vector.shape_cast %swap3A_358 : vector<1x16xf32> to vector<16xf32>
      %swap3A_360 = vector.shape_cast %mul3A_355 : vector<16xf32> to vector<1x16xf32>
      tpu.vector_store %arg10[%swap3A_356, %swap3A_357], %swap3A_360 {strides = array<i32>} : memref<128x128xf32, #tpu.memory_space<vmem>>, vector<1x16xf32>,
      %mul3A_361 = arith.constant 2.000000e-02 : f32
      %mul3A_362 = vector.broadcast %mul3A_361 : f32 to vector<16xf32>
      %mul3A_363 = arith.mulf %scan3A_347#1, %mul3A_362 : vector<16xf32>
      %swap3A_364 = arith.index_cast %add3A_352 : i32 to index
      %swap3A_365 = arith.constant 16 : index
      %swap3A_366 = tpu.vector_load %arg10[%swap3A_364, %swap3A_365] {strides = array<i32>} : memref<128x128xf32, #tpu.memory_space<vmem>>, vector<1x16xf32>,
      %swap3A_367 = vector.shape_cast %swap3A_366 : vector<1x16xf32> to vector<16xf32>
      %swap3A_368 = vector.shape_cast %mul3A_363 : vector<16xf32> to vector<1x16xf32>
      tpu.vector_store %arg10[%swap3A_364, %swap3A_365], %swap3A_368 {strides = array<i32>} : memref<128x128xf32, #tpu.memory_space<vmem>>, vector<1x16xf32>,
      %mul3A_369 = arith.constant 2.000000e-02 : f32
      %mul3A_370 = vector.broadcast %mul3A_369 : f32 to vector<16xf32>
      %mul3A_371 = arith.mulf %scan3A_347#2, %mul3A_370 : vector<16xf32>
      %swap3A_372 = arith.index_cast %add3A_352 : i32 to index
      %swap3A_373 = arith.constant 32 : index
      %swap3A_374 = tpu.vector_load %arg10[%swap3A_372, %swap3A_373] {strides = array<i32>} : memref<128x128xf32, #tpu.memory_space<vmem>>, vector<1x16xf32>,
      %swap3A_375 = vector.shape_cast %swap3A_374 : vector<1x16xf32> to vector<16xf32>
      %swap3A_376 = vector.shape_cast %mul3A_371 : vector<16xf32> to vector<1x16xf32>
      tpu.vector_store %arg10[%swap3A_372, %swap3A_373], %swap3A_376 {strides = array<i32>} : memref<128x128xf32, #tpu.memory_space<vmem>>, vector<1x16xf32>,
      %mul3A_377 = arith.constant 2.000000e-02 : f32
      %mul3A_378 = vector.broadcast %mul3A_377 : f32 to vector<16xf32>
      %mul3A_379 = arith.mulf %scan3A_347#3, %mul3A_378 : vector<16xf32>
      %swap3A_380 = arith.index_cast %add3A_352 : i32 to index
      %swap3A_381 = arith.constant 48 : index
      %swap3A_382 = tpu.vector_load %arg10[%swap3A_380, %swap3A_381] {strides = array<i32>} : memref<128x128xf32, #tpu.memory_space<vmem>>, vector<1x16xf32>,
      %swap3A_383 = vector.shape_cast %swap3A_382 : vector<1x16xf32> to vector<16xf32>
      %swap3A_384 = vector.shape_cast %mul3A_379 : vector<16xf32> to vector<1x16xf32>
      tpu.vector_store %arg10[%swap3A_380, %swap3A_381], %swap3A_384 {strides = array<i32>} : memref<128x128xf32, #tpu.memory_space<vmem>>, vector<1x16xf32>,
      %mul3A_385 = arith.constant 2.000000e-02 : f32
      %mul3A_386 = vector.broadcast %mul3A_385 : f32 to vector<16xf32>
      %mul3A_387 = arith.mulf %scan3A_347#4, %mul3A_386 : vector<16xf32>
      %swap3A_388 = arith.index_cast %add3A_352 : i32 to index
      %swap3A_389 = arith.constant 64 : index
      %swap3A_390 = tpu.vector_load %arg10[%swap3A_388, %swap3A_389] {strides = array<i32>} : memref<128x128xf32, #tpu.memory_space<vmem>>, vector<1x16xf32>,
      %swap3A_391 = vector.shape_cast %swap3A_390 : vector<1x16xf32> to vector<16xf32>
      %swap3A_392 = vector.shape_cast %mul3A_387 : vector<16xf32> to vector<1x16xf32>
      tpu.vector_store %arg10[%swap3A_388, %swap3A_389], %swap3A_392 {strides = array<i32>} : memref<128x128xf32, #tpu.memory_space<vmem>>, vector<1x16xf32>,
      %mul3A_393 = arith.constant 2.000000e-02 : f32
      %mul3A_394 = vector.broadcast %mul3A_393 : f32 to vector<16xf32>
      %mul3A_395 = arith.mulf %scan3A_347#5, %mul3A_394 : vector<16xf32>
      %swap3A_396 = arith.index_cast %add3A_352 : i32 to index
      %swap3A_397 = arith.constant 80 : index
      %swap3A_398 = tpu.vector_load %arg10[%swap3A_396, %swap3A_397] {strides = array<i32>} : memref<128x128xf32, #tpu.memory_space<vmem>>, vector<1x16xf32>,
      %swap3A_399 = vector.shape_cast %swap3A_398 : vector<1x16xf32> to vector<16xf32>
      %swap3A_400 = vector.shape_cast %mul3A_395 : vector<16xf32> to vector<1x16xf32>
      tpu.vector_store %arg10[%swap3A_396, %swap3A_397], %swap3A_400 {strides = array<i32>} : memref<128x128xf32, #tpu.memory_space<vmem>>, vector<1x16xf32>,
      %mul3A_401 = arith.constant 2.000000e-02 : f32
      %mul3A_402 = vector.broadcast %mul3A_401 : f32 to vector<16xf32>
      %mul3A_403 = arith.mulf %scan3A_347#6, %mul3A_402 : vector<16xf32>
      %swap3A_404 = arith.index_cast %add3A_352 : i32 to index
      %swap3A_405 = arith.constant 96 : index
      %swap3A_406 = tpu.vector_load %arg10[%swap3A_404, %swap3A_405] {strides = array<i32>} : memref<128x128xf32, #tpu.memory_space<vmem>>, vector<1x16xf32>,
      %swap3A_407 = vector.shape_cast %swap3A_406 : vector<1x16xf32> to vector<16xf32>
      %swap3A_408 = vector.shape_cast %mul3A_403 : vector<16xf32> to vector<1x16xf32>
      tpu.vector_store %arg10[%swap3A_404, %swap3A_405], %swap3A_408 {strides = array<i32>} : memref<128x128xf32, #tpu.memory_space<vmem>>, vector<1x16xf32>,
      %mul3A_409 = arith.constant 2.000000e-02 : f32
      %mul3A_410 = vector.broadcast %mul3A_409 : f32 to vector<16xf32>
      %mul3A_411 = arith.mulf %scan3A_347#7, %mul3A_410 : vector<16xf32>
      %swap3A_412 = arith.index_cast %add3A_352 : i32 to index
      %swap3A_413 = arith.constant 112 : index
      %swap3A_414 = tpu.vector_load %arg10[%swap3A_412, %swap3A_413] {strides = array<i32>} : memref<128x128xf32, #tpu.memory_space<vmem>>, vector<1x16xf32>,
      %swap3A_415 = vector.shape_cast %swap3A_414 : vector<1x16xf32> to vector<16xf32>
      %swap3A_416 = vector.shape_cast %mul3A_411 : vector<16xf32> to vector<1x16xf32>
      tpu.vector_store %arg10[%swap3A_412, %swap3A_413], %swap3A_416 {strides = array<i32>} : memref<128x128xf32, #tpu.memory_space<vmem>>, vector<1x16xf32>,
      %add3A_417 = arith.constant 4 : i32
      %add3A_418 = arith.addi %add3A_230, %add3A_417 : i32
      %lt3A_419 = arith.constant 64 : i32
      %lt3A_420 = arith.cmpi slt, %add3A_418, %lt3A_419 : i32
      %convert_element_type3A_421 = arith.extui %lt3A_420 : i1 to i32
      %cond3A_422 = arith.constant 0 : i32
      %cond3A_423 = arith.cmpi ne, %convert_element_type3A_421, %cond3A_422 : i32
      scf.if %cond3A_423 {
        %dma_start3A_818 = arith.constant 0 : i32
        %dma_start3A_819 = tpu.memref_slice %arg5[%add3A_418, %dma_start3A_818] : memref<64x100xi32, #tpu.memory_space<vmem>> -> memref<1x100xi32, #tpu.memory_space<vmem>>
        %dma_start3A_820 = tpu.memref_squeeze %dma_start3A_819 : memref<1x100xi32, #tpu.memory_space<vmem>> -> memref<100xi32, #tpu.memory_space<vmem>>
        %dma_start3A_821 = arith.constant 0 : i32
        %dma_start3A_822 = arith.constant 0 : i32
        %dma_start3A_823 = tpu.memref_slice %arg3[%dma_start3A_821, %dma_start3A_822] : memref<1000000x128xf32, #tpu.memory_space<hbm>> -> memref<1000000x128xf32, #tpu.memory_space<hbm>>
        tpu.enqueue_indirect_dma source(%dma_start3A_823 : memref<1000000x128xf32, #tpu.memory_space<hbm>>) target(%arg7 : memref<100x128xf32, #tpu.memory_space<vmem>>) offsets(%dma_start3A_820 : memref<100xi32, #tpu.memory_space<vmem>>) semaphore(%arg12 : memref<!tpu.dma_semaphore, #tpu.memory_space<semaphore_mem>>)
      } else {
      }
      %mul3A_424 = arith.constant 4 : i32
      %mul3A_425 = arith.muli %mul3A_424, %scan3A_35 : i32
      %add3A_426 = arith.constant 2 : i32
      %add3A_427 = arith.addi %mul3A_425, %add3A_426 : i32
      %dma_wait3A_428 = arith.constant 0 : i32
      %dma_wait3A_429 = tpu.memref_slice %arg5[%add3A_427, %dma_wait3A_428] : memref<64x100xi32, #tpu.memory_space<vmem>> -> memref<1x100xi32, #tpu.memory_space<vmem>>
      %dma_wait3A_430 = tpu.memref_squeeze %dma_wait3A_429 : memref<1x100xi32, #tpu.memory_space<vmem>> -> memref<100xi32, #tpu.memory_space<vmem>>
      %dma_wait3A_431 = arith.constant 0 : i32
      %dma_wait3A_432 = arith.constant 0 : i32
      %dma_wait3A_433 = tpu.memref_slice %arg3[%dma_wait3A_431, %dma_wait3A_432] : memref<1000000x128xf32, #tpu.memory_space<hbm>> -> memref<1000000x128xf32, #tpu.memory_space<hbm>>
      tpu.wait_indirect_dma semaphore(%arg13 : memref<!tpu.dma_semaphore, #tpu.memory_space<semaphore_mem>>) src(%dma_wait3A_433 : memref<1000000x128xf32, #tpu.memory_space<hbm>>) dst(%arg8 : memref<100x128xf32, #tpu.memory_space<vmem>>)
      %broadcast_in_dim3A_434 = arith.constant 0.000000e+00 : f32
      %broadcast_in_dim3A_435 = vector.broadcast %broadcast_in_dim3A_434 : f32 to vector<16xf32>
      %broadcast_in_dim3A_436 = arith.constant 0.000000e+00 : f32
      %broadcast_in_dim3A_437 = vector.broadcast %broadcast_in_dim3A_436 : f32 to vector<16xf32>
      %broadcast_in_dim3A_438 = arith.constant 0.000000e+00 : f32
      %broadcast_in_dim3A_439 = vector.broadcast %broadcast_in_dim3A_438 : f32 to vector<16xf32>
      %broadcast_in_dim3A_440 = arith.constant 0.000000e+00 : f32
      %broadcast_in_dim3A_441 = vector.broadcast %broadcast_in_dim3A_440 : f32 to vector<16xf32>
      %broadcast_in_dim3A_442 = arith.constant 0.000000e+00 : f32
      %broadcast_in_dim3A_443 = vector.broadcast %broadcast_in_dim3A_442 : f32 to vector<16xf32>
      %broadcast_in_dim3A_444 = arith.constant 0.000000e+00 : f32
      %broadcast_in_dim3A_445 = vector.broadcast %broadcast_in_dim3A_444 : f32 to vector<16xf32>
      %broadcast_in_dim3A_446 = arith.constant 0.000000e+00 : f32
      %broadcast_in_dim3A_447 = vector.broadcast %broadcast_in_dim3A_446 : f32 to vector<16xf32>
      %broadcast_in_dim3A_448 = arith.constant 0.000000e+00 : f32
      %broadcast_in_dim3A_449 = vector.broadcast %broadcast_in_dim3A_448 : f32 to vector<16xf32>
      %scan3A_450 = arith.constant 0 : i32
      %scan3A_451 = arith.constant 50 : i32
      %scan3A_452 = arith.addi %scan3A_450, %scan3A_451 : i32
      %scan3A_453 = arith.constant 1 : i32
      %scan3A_454:8 = scf.for %scan3A_818 = %scan3A_450 to %scan3A_452 step %scan3A_453 iter_args(%scan3A_819 = %broadcast_in_dim3A_435, %scan3A_820 = %broadcast_in_dim3A_437, %scan3A_821 = %broadcast_in_dim3A_439, %scan3A_822 = %broadcast_in_dim3A_441, %scan3A_823 = %broadcast_in_dim3A_443, %scan3A_824 = %broadcast_in_dim3A_445, %scan3A_825 = %broadcast_in_dim3A_447, %scan3A_826 = %broadcast_in_dim3A_449) -> (vector<16xf32>, vector<16xf32>, vector<16xf32>, vector<16xf32>, vector<16xf32>, vector<16xf32>, vector<16xf32>, vector<16xf32>)  : i32 {
        %add3A_827 = arith.constant 0 : i32
        %add3A_828 = arith.addi %add3A_827, %scan3A_818 : i32
        %get3A = arith.index_cast %add3A_828 : i32 to index
        %get3A_829 = arith.constant 0 : index
        %get3A_830 = tpu.vector_load %arg8[%get3A, %get3A_829] {strides = array<i32>} : memref<100x128xf32, #tpu.memory_space<vmem>>, vector<1x16xf32>,
        %get3A_831 = vector.shape_cast %get3A_830 : vector<1x16xf32> to vector<16xf32>
        %add3A_832 = arith.addf %scan3A_819, %get3A_831 : vector<16xf32>
        %add3A_833 = arith.constant 0 : i32
        %add3A_834 = arith.addi %add3A_833, %scan3A_818 : i32
        %get3A_835 = arith.index_cast %add3A_834 : i32 to index
        %get3A_836 = arith.constant 16 : index
        %get3A_837 = tpu.vector_load %arg8[%get3A_835, %get3A_836] {strides = array<i32>} : memref<100x128xf32, #tpu.memory_space<vmem>>, vector<1x16xf32>,
        %get3A_838 = vector.shape_cast %get3A_837 : vector<1x16xf32> to vector<16xf32>
        %add3A_839 = arith.addf %scan3A_820, %get3A_838 : vector<16xf32>
        %add3A_840 = arith.constant 0 : i32
        %add3A_841 = arith.addi %add3A_840, %scan3A_818 : i32
        %get3A_842 = arith.index_cast %add3A_841 : i32 to index
        %get3A_843 = arith.constant 32 : index
        %get3A_844 = tpu.vector_load %arg8[%get3A_842, %get3A_843] {strides = array<i32>} : memref<100x128xf32, #tpu.memory_space<vmem>>, vector<1x16xf32>,
        %get3A_845 = vector.shape_cast %get3A_844 : vector<1x16xf32> to vector<16xf32>
        %add3A_846 = arith.addf %scan3A_821, %get3A_845 : vector<16xf32>
        %add3A_847 = arith.constant 0 : i32
        %add3A_848 = arith.addi %add3A_847, %scan3A_818 : i32
        %get3A_849 = arith.index_cast %add3A_848 : i32 to index
        %get3A_850 = arith.constant 48 : index
        %get3A_851 = tpu.vector_load %arg8[%get3A_849, %get3A_850] {strides = array<i32>} : memref<100x128xf32, #tpu.memory_space<vmem>>, vector<1x16xf32>,
        %get3A_852 = vector.shape_cast %get3A_851 : vector<1x16xf32> to vector<16xf32>
        %add3A_853 = arith.addf %scan3A_822, %get3A_852 : vector<16xf32>
        %add3A_854 = arith.constant 0 : i32
        %add3A_855 = arith.addi %add3A_854, %scan3A_818 : i32
        %get3A_856 = arith.index_cast %add3A_855 : i32 to index
        %get3A_857 = arith.constant 64 : index
        %get3A_858 = tpu.vector_load %arg8[%get3A_856, %get3A_857] {strides = array<i32>} : memref<100x128xf32, #tpu.memory_space<vmem>>, vector<1x16xf32>,
        %get3A_859 = vector.shape_cast %get3A_858 : vector<1x16xf32> to vector<16xf32>
        %add3A_860 = arith.addf %scan3A_823, %get3A_859 : vector<16xf32>
        %add3A_861 = arith.constant 0 : i32
        %add3A_862 = arith.addi %add3A_861, %scan3A_818 : i32
        %get3A_863 = arith.index_cast %add3A_862 : i32 to index
        %get3A_864 = arith.constant 80 : index
        %get3A_865 = tpu.vector_load %arg8[%get3A_863, %get3A_864] {strides = array<i32>} : memref<100x128xf32, #tpu.memory_space<vmem>>, vector<1x16xf32>,
        %get3A_866 = vector.shape_cast %get3A_865 : vector<1x16xf32> to vector<16xf32>
        %add3A_867 = arith.addf %scan3A_824, %get3A_866 : vector<16xf32>
        %add3A_868 = arith.constant 0 : i32
        %add3A_869 = arith.addi %add3A_868, %scan3A_818 : i32
        %get3A_870 = arith.index_cast %add3A_869 : i32 to index
        %get3A_871 = arith.constant 96 : index
        %get3A_872 = tpu.vector_load %arg8[%get3A_870, %get3A_871] {strides = array<i32>} : memref<100x128xf32, #tpu.memory_space<vmem>>, vector<1x16xf32>,
        %get3A_873 = vector.shape_cast %get3A_872 : vector<1x16xf32> to vector<16xf32>
        %add3A_874 = arith.addf %scan3A_825, %get3A_873 : vector<16xf32>
        %add3A_875 = arith.constant 0 : i32
        %add3A_876 = arith.addi %add3A_875, %scan3A_818 : i32
        %get3A_877 = arith.index_cast %add3A_876 : i32 to index
        %get3A_878 = arith.constant 112 : index
        %get3A_879 = tpu.vector_load %arg8[%get3A_877, %get3A_878] {strides = array<i32>} : memref<100x128xf32, #tpu.memory_space<vmem>>, vector<1x16xf32>,
        %get3A_880 = vector.shape_cast %get3A_879 : vector<1x16xf32> to vector<16xf32>
        %add3A_881 = arith.addf %scan3A_826, %get3A_880 : vector<16xf32>
        scf.yield %add3A_832, %add3A_839, %add3A_846, %add3A_853, %add3A_860, %add3A_867, %add3A_874, %add3A_881 : vector<16xf32>, vector<16xf32>, vector<16xf32>, vector<16xf32>, vector<16xf32>, vector<16xf32>, vector<16xf32>, vector<16xf32>
      }
      %scan3A_455 = arith.constant 50 : i32
      %mul3A_456 = arith.constant 2 : i32
      %mul3A_457 = arith.muli %add3A_427, %mul3A_456 : i32
      %add3A_458 = arith.constant 0 : i32
      %add3A_459 = arith.addi %mul3A_457, %add3A_458 : i32
      %mul3A_460 = arith.constant 2.000000e-02 : f32
      %mul3A_461 = vector.broadcast %mul3A_460 : f32 to vector<16xf32>
      %mul3A_462 = arith.mulf %scan3A_454#0, %mul3A_461 : vector<16xf32>
      %swap3A_463 = arith.index_cast %add3A_459 : i32 to index
      %swap3A_464 = arith.constant 0 : index
      %swap3A_465 = tpu.vector_load %arg10[%swap3A_463, %swap3A_464] {strides = array<i32>} : memref<128x128xf32, #tpu.memory_space<vmem>>, vector<1x16xf32>,
      %swap3A_466 = vector.shape_cast %swap3A_465 : vector<1x16xf32> to vector<16xf32>
      %swap3A_467 = vector.shape_cast %mul3A_462 : vector<16xf32> to vector<1x16xf32>
      tpu.vector_store %arg10[%swap3A_463, %swap3A_464], %swap3A_467 {strides = array<i32>} : memref<128x128xf32, #tpu.memory_space<vmem>>, vector<1x16xf32>,
      %mul3A_468 = arith.constant 2.000000e-02 : f32
      %mul3A_469 = vector.broadcast %mul3A_468 : f32 to vector<16xf32>
      %mul3A_470 = arith.mulf %scan3A_454#1, %mul3A_469 : vector<16xf32>
      %swap3A_471 = arith.index_cast %add3A_459 : i32 to index
      %swap3A_472 = arith.constant 16 : index
      %swap3A_473 = tpu.vector_load %arg10[%swap3A_471, %swap3A_472] {strides = array<i32>} : memref<128x128xf32, #tpu.memory_space<vmem>>, vector<1x16xf32>,
      %swap3A_474 = vector.shape_cast %swap3A_473 : vector<1x16xf32> to vector<16xf32>
      %swap3A_475 = vector.shape_cast %mul3A_470 : vector<16xf32> to vector<1x16xf32>
      tpu.vector_store %arg10[%swap3A_471, %swap3A_472], %swap3A_475 {strides = array<i32>} : memref<128x128xf32, #tpu.memory_space<vmem>>, vector<1x16xf32>,
      %mul3A_476 = arith.constant 2.000000e-02 : f32
      %mul3A_477 = vector.broadcast %mul3A_476 : f32 to vector<16xf32>
      %mul3A_478 = arith.mulf %scan3A_454#2, %mul3A_477 : vector<16xf32>
      %swap3A_479 = arith.index_cast %add3A_459 : i32 to index
      %swap3A_480 = arith.constant 32 : index
      %swap3A_481 = tpu.vector_load %arg10[%swap3A_479, %swap3A_480] {strides = array<i32>} : memref<128x128xf32, #tpu.memory_space<vmem>>, vector<1x16xf32>,
      %swap3A_482 = vector.shape_cast %swap3A_481 : vector<1x16xf32> to vector<16xf32>
      %swap3A_483 = vector.shape_cast %mul3A_478 : vector<16xf32> to vector<1x16xf32>
      tpu.vector_store %arg10[%swap3A_479, %swap3A_480], %swap3A_483 {strides = array<i32>} : memref<128x128xf32, #tpu.memory_space<vmem>>, vector<1x16xf32>,
      %mul3A_484 = arith.constant 2.000000e-02 : f32
      %mul3A_485 = vector.broadcast %mul3A_484 : f32 to vector<16xf32>
      %mul3A_486 = arith.mulf %scan3A_454#3, %mul3A_485 : vector<16xf32>
      %swap3A_487 = arith.index_cast %add3A_459 : i32 to index
      %swap3A_488 = arith.constant 48 : index
      %swap3A_489 = tpu.vector_load %arg10[%swap3A_487, %swap3A_488] {strides = array<i32>} : memref<128x128xf32, #tpu.memory_space<vmem>>, vector<1x16xf32>,
      %swap3A_490 = vector.shape_cast %swap3A_489 : vector<1x16xf32> to vector<16xf32>
      %swap3A_491 = vector.shape_cast %mul3A_486 : vector<16xf32> to vector<1x16xf32>
      tpu.vector_store %arg10[%swap3A_487, %swap3A_488], %swap3A_491 {strides = array<i32>} : memref<128x128xf32, #tpu.memory_space<vmem>>, vector<1x16xf32>,
      %mul3A_492 = arith.constant 2.000000e-02 : f32
      %mul3A_493 = vector.broadcast %mul3A_492 : f32 to vector<16xf32>
      %mul3A_494 = arith.mulf %scan3A_454#4, %mul3A_493 : vector<16xf32>
      %swap3A_495 = arith.index_cast %add3A_459 : i32 to index
      %swap3A_496 = arith.constant 64 : index
      %swap3A_497 = tpu.vector_load %arg10[%swap3A_495, %swap3A_496] {strides = array<i32>} : memref<128x128xf32, #tpu.memory_space<vmem>>, vector<1x16xf32>,
      %swap3A_498 = vector.shape_cast %swap3A_497 : vector<1x16xf32> to vector<16xf32>
      %swap3A_499 = vector.shape_cast %mul3A_494 : vector<16xf32> to vector<1x16xf32>
      tpu.vector_store %arg10[%swap3A_495, %swap3A_496], %swap3A_499 {strides = array<i32>} : memref<128x128xf32, #tpu.memory_space<vmem>>, vector<1x16xf32>,
      %mul3A_500 = arith.constant 2.000000e-02 : f32
      %mul3A_501 = vector.broadcast %mul3A_500 : f32 to vector<16xf32>
      %mul3A_502 = arith.mulf %scan3A_454#5, %mul3A_501 : vector<16xf32>
      %swap3A_503 = arith.index_cast %add3A_459 : i32 to index
      %swap3A_504 = arith.constant 80 : index
      %swap3A_505 = tpu.vector_load %arg10[%swap3A_503, %swap3A_504] {strides = array<i32>} : memref<128x128xf32, #tpu.memory_space<vmem>>, vector<1x16xf32>,
      %swap3A_506 = vector.shape_cast %swap3A_505 : vector<1x16xf32> to vector<16xf32>
      %swap3A_507 = vector.shape_cast %mul3A_502 : vector<16xf32> to vector<1x16xf32>
      tpu.vector_store %arg10[%swap3A_503, %swap3A_504], %swap3A_507 {strides = array<i32>} : memref<128x128xf32, #tpu.memory_space<vmem>>, vector<1x16xf32>,
      %mul3A_508 = arith.constant 2.000000e-02 : f32
      %mul3A_509 = vector.broadcast %mul3A_508 : f32 to vector<16xf32>
      %mul3A_510 = arith.mulf %scan3A_454#6, %mul3A_509 : vector<16xf32>
      %swap3A_511 = arith.index_cast %add3A_459 : i32 to index
      %swap3A_512 = arith.constant 96 : index
      %swap3A_513 = tpu.vector_load %arg10[%swap3A_511, %swap3A_512] {strides = array<i32>} : memref<128x128xf32, #tpu.memory_space<vmem>>, vector<1x16xf32>,
      %swap3A_514 = vector.shape_cast %swap3A_513 : vector<1x16xf32> to vector<16xf32>
      %swap3A_515 = vector.shape_cast %mul3A_510 : vector<16xf32> to vector<1x16xf32>
      tpu.vector_store %arg10[%swap3A_511, %swap3A_512], %swap3A_515 {strides = array<i32>} : memref<128x128xf32, #tpu.memory_space<vmem>>, vector<1x16xf32>,
      %mul3A_516 = arith.constant 2.000000e-02 : f32
      %mul3A_517 = vector.broadcast %mul3A_516 : f32 to vector<16xf32>
      %mul3A_518 = arith.mulf %scan3A_454#7, %mul3A_517 : vector<16xf32>
      %swap3A_519 = arith.index_cast %add3A_459 : i32 to index
      %swap3A_520 = arith.constant 112 : index
      %swap3A_521 = tpu.vector_load %arg10[%swap3A_519, %swap3A_520] {strides = array<i32>} : memref<128x128xf32, #tpu.memory_space<vmem>>, vector<1x16xf32>,
      %swap3A_522 = vector.shape_cast %swap3A_521 : vector<1x16xf32> to vector<16xf32>
      %swap3A_523 = vector.shape_cast %mul3A_518 : vector<16xf32> to vector<1x16xf32>
      tpu.vector_store %arg10[%swap3A_519, %swap3A_520], %swap3A_523 {strides = array<i32>} : memref<128x128xf32, #tpu.memory_space<vmem>>, vector<1x16xf32>,
      %broadcast_in_dim3A_524 = arith.constant 0.000000e+00 : f32
      %broadcast_in_dim3A_525 = vector.broadcast %broadcast_in_dim3A_524 : f32 to vector<16xf32>
      %broadcast_in_dim3A_526 = arith.constant 0.000000e+00 : f32
      %broadcast_in_dim3A_527 = vector.broadcast %broadcast_in_dim3A_526 : f32 to vector<16xf32>
      %broadcast_in_dim3A_528 = arith.constant 0.000000e+00 : f32
      %broadcast_in_dim3A_529 = vector.broadcast %broadcast_in_dim3A_528 : f32 to vector<16xf32>
      %broadcast_in_dim3A_530 = arith.constant 0.000000e+00 : f32
      %broadcast_in_dim3A_531 = vector.broadcast %broadcast_in_dim3A_530 : f32 to vector<16xf32>
      %broadcast_in_dim3A_532 = arith.constant 0.000000e+00 : f32
      %broadcast_in_dim3A_533 = vector.broadcast %broadcast_in_dim3A_532 : f32 to vector<16xf32>
      %broadcast_in_dim3A_534 = arith.constant 0.000000e+00 : f32
      %broadcast_in_dim3A_535 = vector.broadcast %broadcast_in_dim3A_534 : f32 to vector<16xf32>
      %broadcast_in_dim3A_536 = arith.constant 0.000000e+00 : f32
      %broadcast_in_dim3A_537 = vector.broadcast %broadcast_in_dim3A_536 : f32 to vector<16xf32>
      %broadcast_in_dim3A_538 = arith.constant 0.000000e+00 : f32
      %broadcast_in_dim3A_539 = vector.broadcast %broadcast_in_dim3A_538 : f32 to vector<16xf32>
      %scan3A_540 = arith.constant 0 : i32
      %scan3A_541 = arith.constant 50 : i32
      %scan3A_542 = arith.addi %scan3A_540, %scan3A_541 : i32
      %scan3A_543 = arith.constant 1 : i32
      %scan3A_544:8 = scf.for %scan3A_818 = %scan3A_540 to %scan3A_542 step %scan3A_543 iter_args(%scan3A_819 = %broadcast_in_dim3A_525, %scan3A_820 = %broadcast_in_dim3A_527, %scan3A_821 = %broadcast_in_dim3A_529, %scan3A_822 = %broadcast_in_dim3A_531, %scan3A_823 = %broadcast_in_dim3A_533, %scan3A_824 = %broadcast_in_dim3A_535, %scan3A_825 = %broadcast_in_dim3A_537, %scan3A_826 = %broadcast_in_dim3A_539) -> (vector<16xf32>, vector<16xf32>, vector<16xf32>, vector<16xf32>, vector<16xf32>, vector<16xf32>, vector<16xf32>, vector<16xf32>)  : i32 {
        %add3A_827 = arith.constant 50 : i32
        %add3A_828 = arith.addi %add3A_827, %scan3A_818 : i32
        %get3A = arith.index_cast %add3A_828 : i32 to index
        %get3A_829 = arith.constant 0 : index
        %get3A_830 = tpu.vector_load %arg8[%get3A, %get3A_829] {strides = array<i32>} : memref<100x128xf32, #tpu.memory_space<vmem>>, vector<1x16xf32>,
        %get3A_831 = vector.shape_cast %get3A_830 : vector<1x16xf32> to vector<16xf32>
        %add3A_832 = arith.addf %scan3A_819, %get3A_831 : vector<16xf32>
        %add3A_833 = arith.constant 50 : i32
        %add3A_834 = arith.addi %add3A_833, %scan3A_818 : i32
        %get3A_835 = arith.index_cast %add3A_834 : i32 to index
        %get3A_836 = arith.constant 16 : index
        %get3A_837 = tpu.vector_load %arg8[%get3A_835, %get3A_836] {strides = array<i32>} : memref<100x128xf32, #tpu.memory_space<vmem>>, vector<1x16xf32>,
        %get3A_838 = vector.shape_cast %get3A_837 : vector<1x16xf32> to vector<16xf32>
        %add3A_839 = arith.addf %scan3A_820, %get3A_838 : vector<16xf32>
        %add3A_840 = arith.constant 50 : i32
        %add3A_841 = arith.addi %add3A_840, %scan3A_818 : i32
        %get3A_842 = arith.index_cast %add3A_841 : i32 to index
        %get3A_843 = arith.constant 32 : index
        %get3A_844 = tpu.vector_load %arg8[%get3A_842, %get3A_843] {strides = array<i32>} : memref<100x128xf32, #tpu.memory_space<vmem>>, vector<1x16xf32>,
        %get3A_845 = vector.shape_cast %get3A_844 : vector<1x16xf32> to vector<16xf32>
        %add3A_846 = arith.addf %scan3A_821, %get3A_845 : vector<16xf32>
        %add3A_847 = arith.constant 50 : i32
        %add3A_848 = arith.addi %add3A_847, %scan3A_818 : i32
        %get3A_849 = arith.index_cast %add3A_848 : i32 to index
        %get3A_850 = arith.constant 48 : index
        %get3A_851 = tpu.vector_load %arg8[%get3A_849, %get3A_850] {strides = array<i32>} : memref<100x128xf32, #tpu.memory_space<vmem>>, vector<1x16xf32>,
        %get3A_852 = vector.shape_cast %get3A_851 : vector<1x16xf32> to vector<16xf32>
        %add3A_853 = arith.addf %scan3A_822, %get3A_852 : vector<16xf32>
        %add3A_854 = arith.constant 50 : i32
        %add3A_855 = arith.addi %add3A_854, %scan3A_818 : i32
        %get3A_856 = arith.index_cast %add3A_855 : i32 to index
        %get3A_857 = arith.constant 64 : index
        %get3A_858 = tpu.vector_load %arg8[%get3A_856, %get3A_857] {strides = array<i32>} : memref<100x128xf32, #tpu.memory_space<vmem>>, vector<1x16xf32>,
        %get3A_859 = vector.shape_cast %get3A_858 : vector<1x16xf32> to vector<16xf32>
        %add3A_860 = arith.addf %scan3A_823, %get3A_859 : vector<16xf32>
        %add3A_861 = arith.constant 50 : i32
        %add3A_862 = arith.addi %add3A_861, %scan3A_818 : i32
        %get3A_863 = arith.index_cast %add3A_862 : i32 to index
        %get3A_864 = arith.constant 80 : index
        %get3A_865 = tpu.vector_load %arg8[%get3A_863, %get3A_864] {strides = array<i32>} : memref<100x128xf32, #tpu.memory_space<vmem>>, vector<1x16xf32>,
        %get3A_866 = vector.shape_cast %get3A_865 : vector<1x16xf32> to vector<16xf32>
        %add3A_867 = arith.addf %scan3A_824, %get3A_866 : vector<16xf32>
        %add3A_868 = arith.constant 50 : i32
        %add3A_869 = arith.addi %add3A_868, %scan3A_818 : i32
        %get3A_870 = arith.index_cast %add3A_869 : i32 to index
        %get3A_871 = arith.constant 96 : index
        %get3A_872 = tpu.vector_load %arg8[%get3A_870, %get3A_871] {strides = array<i32>} : memref<100x128xf32, #tpu.memory_space<vmem>>, vector<1x16xf32>,
        %get3A_873 = vector.shape_cast %get3A_872 : vector<1x16xf32> to vector<16xf32>
        %add3A_874 = arith.addf %scan3A_825, %get3A_873 : vector<16xf32>
        %add3A_875 = arith.constant 50 : i32
        %add3A_876 = arith.addi %add3A_875, %scan3A_818 : i32
        %get3A_877 = arith.index_cast %add3A_876 : i32 to index
        %get3A_878 = arith.constant 112 : index
        %get3A_879 = tpu.vector_load %arg8[%get3A_877, %get3A_878] {strides = array<i32>} : memref<100x128xf32, #tpu.memory_space<vmem>>, vector<1x16xf32>,
        %get3A_880 = vector.shape_cast %get3A_879 : vector<1x16xf32> to vector<16xf32>
        %add3A_881 = arith.addf %scan3A_826, %get3A_880 : vector<16xf32>
        scf.yield %add3A_832, %add3A_839, %add3A_846, %add3A_853, %add3A_860, %add3A_867, %add3A_874, %add3A_881 : vector<16xf32>, vector<16xf32>, vector<16xf32>, vector<16xf32>, vector<16xf32>, vector<16xf32>, vector<16xf32>, vector<16xf32>
      }
      %scan3A_545 = arith.constant 50 : i32
      %mul3A_546 = arith.constant 2 : i32
      %mul3A_547 = arith.muli %add3A_427, %mul3A_546 : i32
      %add3A_548 = arith.constant 1 : i32
      %add3A_549 = arith.addi %mul3A_547, %add3A_548 : i32
      %mul3A_550 = arith.constant 2.000000e-02 : f32
      %mul3A_551 = vector.broadcast %mul3A_550 : f32 to vector<16xf32>
      %mul3A_552 = arith.mulf %scan3A_544#0, %mul3A_551 : vector<16xf32>
      %swap3A_553 = arith.index_cast %add3A_549 : i32 to index
      %swap3A_554 = arith.constant 0 : index
      %swap3A_555 = tpu.vector_load %arg10[%swap3A_553, %swap3A_554] {strides = array<i32>} : memref<128x128xf32, #tpu.memory_space<vmem>>, vector<1x16xf32>,
      %swap3A_556 = vector.shape_cast %swap3A_555 : vector<1x16xf32> to vector<16xf32>
      %swap3A_557 = vector.shape_cast %mul3A_552 : vector<16xf32> to vector<1x16xf32>
      tpu.vector_store %arg10[%swap3A_553, %swap3A_554], %swap3A_557 {strides = array<i32>} : memref<128x128xf32, #tpu.memory_space<vmem>>, vector<1x16xf32>,
      %mul3A_558 = arith.constant 2.000000e-02 : f32
      %mul3A_559 = vector.broadcast %mul3A_558 : f32 to vector<16xf32>
      %mul3A_560 = arith.mulf %scan3A_544#1, %mul3A_559 : vector<16xf32>
      %swap3A_561 = arith.index_cast %add3A_549 : i32 to index
      %swap3A_562 = arith.constant 16 : index
      %swap3A_563 = tpu.vector_load %arg10[%swap3A_561, %swap3A_562] {strides = array<i32>} : memref<128x128xf32, #tpu.memory_space<vmem>>, vector<1x16xf32>,
      %swap3A_564 = vector.shape_cast %swap3A_563 : vector<1x16xf32> to vector<16xf32>
      %swap3A_565 = vector.shape_cast %mul3A_560 : vector<16xf32> to vector<1x16xf32>
      tpu.vector_store %arg10[%swap3A_561, %swap3A_562], %swap3A_565 {strides = array<i32>} : memref<128x128xf32, #tpu.memory_space<vmem>>, vector<1x16xf32>,
      %mul3A_566 = arith.constant 2.000000e-02 : f32
      %mul3A_567 = vector.broadcast %mul3A_566 : f32 to vector<16xf32>
      %mul3A_568 = arith.mulf %scan3A_544#2, %mul3A_567 : vector<16xf32>
      %swap3A_569 = arith.index_cast %add3A_549 : i32 to index
      %swap3A_570 = arith.constant 32 : index
      %swap3A_571 = tpu.vector_load %arg10[%swap3A_569, %swap3A_570] {strides = array<i32>} : memref<128x128xf32, #tpu.memory_space<vmem>>, vector<1x16xf32>,
      %swap3A_572 = vector.shape_cast %swap3A_571 : vector<1x16xf32> to vector<16xf32>
      %swap3A_573 = vector.shape_cast %mul3A_568 : vector<16xf32> to vector<1x16xf32>
      tpu.vector_store %arg10[%swap3A_569, %swap3A_570], %swap3A_573 {strides = array<i32>} : memref<128x128xf32, #tpu.memory_space<vmem>>, vector<1x16xf32>,
      %mul3A_574 = arith.constant 2.000000e-02 : f32
      %mul3A_575 = vector.broadcast %mul3A_574 : f32 to vector<16xf32>
      %mul3A_576 = arith.mulf %scan3A_544#3, %mul3A_575 : vector<16xf32>
      %swap3A_577 = arith.index_cast %add3A_549 : i32 to index
      %swap3A_578 = arith.constant 48 : index
      %swap3A_579 = tpu.vector_load %arg10[%swap3A_577, %swap3A_578] {strides = array<i32>} : memref<128x128xf32, #tpu.memory_space<vmem>>, vector<1x16xf32>,
      %swap3A_580 = vector.shape_cast %swap3A_579 : vector<1x16xf32> to vector<16xf32>
      %swap3A_581 = vector.shape_cast %mul3A_576 : vector<16xf32> to vector<1x16xf32>
      tpu.vector_store %arg10[%swap3A_577, %swap3A_578], %swap3A_581 {strides = array<i32>} : memref<128x128xf32, #tpu.memory_space<vmem>>, vector<1x16xf32>,
      %mul3A_582 = arith.constant 2.000000e-02 : f32
      %mul3A_583 = vector.broadcast %mul3A_582 : f32 to vector<16xf32>
      %mul3A_584 = arith.mulf %scan3A_544#4, %mul3A_583 : vector<16xf32>
      %swap3A_585 = arith.index_cast %add3A_549 : i32 to index
      %swap3A_586 = arith.constant 64 : index
      %swap3A_587 = tpu.vector_load %arg10[%swap3A_585, %swap3A_586] {strides = array<i32>} : memref<128x128xf32, #tpu.memory_space<vmem>>, vector<1x16xf32>,
      %swap3A_588 = vector.shape_cast %swap3A_587 : vector<1x16xf32> to vector<16xf32>
      %swap3A_589 = vector.shape_cast %mul3A_584 : vector<16xf32> to vector<1x16xf32>
      tpu.vector_store %arg10[%swap3A_585, %swap3A_586], %swap3A_589 {strides = array<i32>} : memref<128x128xf32, #tpu.memory_space<vmem>>, vector<1x16xf32>,
      %mul3A_590 = arith.constant 2.000000e-02 : f32
      %mul3A_591 = vector.broadcast %mul3A_590 : f32 to vector<16xf32>
      %mul3A_592 = arith.mulf %scan3A_544#5, %mul3A_591 : vector<16xf32>
      %swap3A_593 = arith.index_cast %add3A_549 : i32 to index
      %swap3A_594 = arith.constant 80 : index
      %swap3A_595 = tpu.vector_load %arg10[%swap3A_593, %swap3A_594] {strides = array<i32>} : memref<128x128xf32, #tpu.memory_space<vmem>>, vector<1x16xf32>,
      %swap3A_596 = vector.shape_cast %swap3A_595 : vector<1x16xf32> to vector<16xf32>
      %swap3A_597 = vector.shape_cast %mul3A_592 : vector<16xf32> to vector<1x16xf32>
      tpu.vector_store %arg10[%swap3A_593, %swap3A_594], %swap3A_597 {strides = array<i32>} : memref<128x128xf32, #tpu.memory_space<vmem>>, vector<1x16xf32>,
      %mul3A_598 = arith.constant 2.000000e-02 : f32
      %mul3A_599 = vector.broadcast %mul3A_598 : f32 to vector<16xf32>
      %mul3A_600 = arith.mulf %scan3A_544#6, %mul3A_599 : vector<16xf32>
      %swap3A_601 = arith.index_cast %add3A_549 : i32 to index
      %swap3A_602 = arith.constant 96 : index
      %swap3A_603 = tpu.vector_load %arg10[%swap3A_601, %swap3A_602] {strides = array<i32>} : memref<128x128xf32, #tpu.memory_space<vmem>>, vector<1x16xf32>,
      %swap3A_604 = vector.shape_cast %swap3A_603 : vector<1x16xf32> to vector<16xf32>
      %swap3A_605 = vector.shape_cast %mul3A_600 : vector<16xf32> to vector<1x16xf32>
      tpu.vector_store %arg10[%swap3A_601, %swap3A_602], %swap3A_605 {strides = array<i32>} : memref<128x128xf32, #tpu.memory_space<vmem>>, vector<1x16xf32>,
      %mul3A_606 = arith.constant 2.000000e-02 : f32
      %mul3A_607 = vector.broadcast %mul3A_606 : f32 to vector<16xf32>
      %mul3A_608 = arith.mulf %scan3A_544#7, %mul3A_607 : vector<16xf32>
      %swap3A_609 = arith.index_cast %add3A_549 : i32 to index
      %swap3A_610 = arith.constant 112 : index
      %swap3A_611 = tpu.vector_load %arg10[%swap3A_609, %swap3A_610] {strides = array<i32>} : memref<128x128xf32, #tpu.memory_space<vmem>>, vector<1x16xf32>,
      %swap3A_612 = vector.shape_cast %swap3A_611 : vector<1x16xf32> to vector<16xf32>
      %swap3A_613 = vector.shape_cast %mul3A_608 : vector<16xf32> to vector<1x16xf32>
      tpu.vector_store %arg10[%swap3A_609, %swap3A_610], %swap3A_613 {strides = array<i32>} : memref<128x128xf32, #tpu.memory_space<vmem>>, vector<1x16xf32>,
      %add3A_614 = arith.constant 4 : i32
      %add3A_615 = arith.addi %add3A_427, %add3A_614 : i32
      %lt3A_616 = arith.constant 64 : i32
      %lt3A_617 = arith.cmpi slt, %add3A_615, %lt3A_616 : i32
      %convert_element_type3A_618 = arith.extui %lt3A_617 : i1 to i32
      %cond3A_619 = arith.constant 0 : i32
      %cond3A_620 = arith.cmpi ne, %convert_element_type3A_618, %cond3A_619 : i32
      scf.if %cond3A_620 {
        %dma_start3A_818 = arith.constant 0 : i32
        %dma_start3A_819 = tpu.memref_slice %arg5[%add3A_615, %dma_start3A_818] : memref<64x100xi32, #tpu.memory_space<vmem>> -> memref<1x100xi32, #tpu.memory_space<vmem>>
        %dma_start3A_820 = tpu.memref_squeeze %dma_start3A_819 : memref<1x100xi32, #tpu.memory_space<vmem>> -> memref<100xi32, #tpu.memory_space<vmem>>
        %dma_start3A_821 = arith.constant 0 : i32
        %dma_start3A_822 = arith.constant 0 : i32
        %dma_start3A_823 = tpu.memref_slice %arg3[%dma_start3A_821, %dma_start3A_822] : memref<1000000x128xf32, #tpu.memory_space<hbm>> -> memref<1000000x128xf32, #tpu.memory_space<hbm>>
        tpu.enqueue_indirect_dma source(%dma_start3A_823 : memref<1000000x128xf32, #tpu.memory_space<hbm>>) target(%arg8 : memref<100x128xf32, #tpu.memory_space<vmem>>) offsets(%dma_start3A_820 : memref<100xi32, #tpu.memory_space<vmem>>) semaphore(%arg13 : memref<!tpu.dma_semaphore, #tpu.memory_space<semaphore_mem>>)
      } else {
      }
      %mul3A_621 = arith.constant 4 : i32
      %mul3A_622 = arith.muli %mul3A_621, %scan3A_35 : i32
      %add3A_623 = arith.constant 3 : i32
      %add3A_624 = arith.addi %mul3A_622, %add3A_623 : i32
      %dma_wait3A_625 = arith.constant 0 : i32
      %dma_wait3A_626 = tpu.memref_slice %arg5[%add3A_624, %dma_wait3A_625] : memref<64x100xi32, #tpu.memory_space<vmem>> -> memref<1x100xi32, #tpu.memory_space<vmem>>
      %dma_wait3A_627 = tpu.memref_squeeze %dma_wait3A_626 : memref<1x100xi32, #tpu.memory_space<vmem>> -> memref<100xi32, #tpu.memory_space<vmem>>
      %dma_wait3A_628 = arith.constant 0 : i32
      %dma_wait3A_629 = arith.constant 0 : i32
      %dma_wait3A_630 = tpu.memref_slice %arg3[%dma_wait3A_628, %dma_wait3A_629] : memref<1000000x128xf32, #tpu.memory_space<hbm>> -> memref<1000000x128xf32, #tpu.memory_space<hbm>>
      tpu.wait_indirect_dma semaphore(%arg14 : memref<!tpu.dma_semaphore, #tpu.memory_space<semaphore_mem>>) src(%dma_wait3A_630 : memref<1000000x128xf32, #tpu.memory_space<hbm>>) dst(%arg9 : memref<100x128xf32, #tpu.memory_space<vmem>>)
      %broadcast_in_dim3A_631 = arith.constant 0.000000e+00 : f32
      %broadcast_in_dim3A_632 = vector.broadcast %broadcast_in_dim3A_631 : f32 to vector<16xf32>
      %broadcast_in_dim3A_633 = arith.constant 0.000000e+00 : f32
      %broadcast_in_dim3A_634 = vector.broadcast %broadcast_in_dim3A_633 : f32 to vector<16xf32>
      %broadcast_in_dim3A_635 = arith.constant 0.000000e+00 : f32
      %broadcast_in_dim3A_636 = vector.broadcast %broadcast_in_dim3A_635 : f32 to vector<16xf32>
      %broadcast_in_dim3A_637 = arith.constant 0.000000e+00 : f32
      %broadcast_in_dim3A_638 = vector.broadcast %broadcast_in_dim3A_637 : f32 to vector<16xf32>
      %broadcast_in_dim3A_639 = arith.constant 0.000000e+00 : f32
      %broadcast_in_dim3A_640 = vector.broadcast %broadcast_in_dim3A_639 : f32 to vector<16xf32>
      %broadcast_in_dim3A_641 = arith.constant 0.000000e+00 : f32
      %broadcast_in_dim3A_642 = vector.broadcast %broadcast_in_dim3A_641 : f32 to vector<16xf32>
      %broadcast_in_dim3A_643 = arith.constant 0.000000e+00 : f32
      %broadcast_in_dim3A_644 = vector.broadcast %broadcast_in_dim3A_643 : f32 to vector<16xf32>
      %broadcast_in_dim3A_645 = arith.constant 0.000000e+00 : f32
      %broadcast_in_dim3A_646 = vector.broadcast %broadcast_in_dim3A_645 : f32 to vector<16xf32>
      %scan3A_647 = arith.constant 0 : i32
      %scan3A_648 = arith.constant 50 : i32
      %scan3A_649 = arith.addi %scan3A_647, %scan3A_648 : i32
      %scan3A_650 = arith.constant 1 : i32
      %scan3A_651:8 = scf.for %scan3A_818 = %scan3A_647 to %scan3A_649 step %scan3A_650 iter_args(%scan3A_819 = %broadcast_in_dim3A_632, %scan3A_820 = %broadcast_in_dim3A_634, %scan3A_821 = %broadcast_in_dim3A_636, %scan3A_822 = %broadcast_in_dim3A_638, %scan3A_823 = %broadcast_in_dim3A_640, %scan3A_824 = %broadcast_in_dim3A_642, %scan3A_825 = %broadcast_in_dim3A_644, %scan3A_826 = %broadcast_in_dim3A_646) -> (vector<16xf32>, vector<16xf32>, vector<16xf32>, vector<16xf32>, vector<16xf32>, vector<16xf32>, vector<16xf32>, vector<16xf32>)  : i32 {
        %add3A_827 = arith.constant 0 : i32
        %add3A_828 = arith.addi %add3A_827, %scan3A_818 : i32
        %get3A = arith.index_cast %add3A_828 : i32 to index
        %get3A_829 = arith.constant 0 : index
        %get3A_830 = tpu.vector_load %arg9[%get3A, %get3A_829] {strides = array<i32>} : memref<100x128xf32, #tpu.memory_space<vmem>>, vector<1x16xf32>,
        %get3A_831 = vector.shape_cast %get3A_830 : vector<1x16xf32> to vector<16xf32>
        %add3A_832 = arith.addf %scan3A_819, %get3A_831 : vector<16xf32>
        %add3A_833 = arith.constant 0 : i32
        %add3A_834 = arith.addi %add3A_833, %scan3A_818 : i32
        %get3A_835 = arith.index_cast %add3A_834 : i32 to index
        %get3A_836 = arith.constant 16 : index
        %get3A_837 = tpu.vector_load %arg9[%get3A_835, %get3A_836] {strides = array<i32>} : memref<100x128xf32, #tpu.memory_space<vmem>>, vector<1x16xf32>,
        %get3A_838 = vector.shape_cast %get3A_837 : vector<1x16xf32> to vector<16xf32>
        %add3A_839 = arith.addf %scan3A_820, %get3A_838 : vector<16xf32>
        %add3A_840 = arith.constant 0 : i32
        %add3A_841 = arith.addi %add3A_840, %scan3A_818 : i32
        %get3A_842 = arith.index_cast %add3A_841 : i32 to index
        %get3A_843 = arith.constant 32 : index
        %get3A_844 = tpu.vector_load %arg9[%get3A_842, %get3A_843] {strides = array<i32>} : memref<100x128xf32, #tpu.memory_space<vmem>>, vector<1x16xf32>,
        %get3A_845 = vector.shape_cast %get3A_844 : vector<1x16xf32> to vector<16xf32>
        %add3A_846 = arith.addf %scan3A_821, %get3A_845 : vector<16xf32>
        %add3A_847 = arith.constant 0 : i32
        %add3A_848 = arith.addi %add3A_847, %scan3A_818 : i32
        %get3A_849 = arith.index_cast %add3A_848 : i32 to index
        %get3A_850 = arith.constant 48 : index
        %get3A_851 = tpu.vector_load %arg9[%get3A_849, %get3A_850] {strides = array<i32>} : memref<100x128xf32, #tpu.memory_space<vmem>>, vector<1x16xf32>,
        %get3A_852 = vector.shape_cast %get3A_851 : vector<1x16xf32> to vector<16xf32>
        %add3A_853 = arith.addf %scan3A_822, %get3A_852 : vector<16xf32>
        %add3A_854 = arith.constant 0 : i32
        %add3A_855 = arith.addi %add3A_854, %scan3A_818 : i32
        %get3A_856 = arith.index_cast %add3A_855 : i32 to index
        %get3A_857 = arith.constant 64 : index
        %get3A_858 = tpu.vector_load %arg9[%get3A_856, %get3A_857] {strides = array<i32>} : memref<100x128xf32, #tpu.memory_space<vmem>>, vector<1x16xf32>,
        %get3A_859 = vector.shape_cast %get3A_858 : vector<1x16xf32> to vector<16xf32>
        %add3A_860 = arith.addf %scan3A_823, %get3A_859 : vector<16xf32>
        %add3A_861 = arith.constant 0 : i32
        %add3A_862 = arith.addi %add3A_861, %scan3A_818 : i32
        %get3A_863 = arith.index_cast %add3A_862 : i32 to index
        %get3A_864 = arith.constant 80 : index
        %get3A_865 = tpu.vector_load %arg9[%get3A_863, %get3A_864] {strides = array<i32>} : memref<100x128xf32, #tpu.memory_space<vmem>>, vector<1x16xf32>,
        %get3A_866 = vector.shape_cast %get3A_865 : vector<1x16xf32> to vector<16xf32>
        %add3A_867 = arith.addf %scan3A_824, %get3A_866 : vector<16xf32>
        %add3A_868 = arith.constant 0 : i32
        %add3A_869 = arith.addi %add3A_868, %scan3A_818 : i32
        %get3A_870 = arith.index_cast %add3A_869 : i32 to index
        %get3A_871 = arith.constant 96 : index
        %get3A_872 = tpu.vector_load %arg9[%get3A_870, %get3A_871] {strides = array<i32>} : memref<100x128xf32, #tpu.memory_space<vmem>>, vector<1x16xf32>,
        %get3A_873 = vector.shape_cast %get3A_872 : vector<1x16xf32> to vector<16xf32>
        %add3A_874 = arith.addf %scan3A_825, %get3A_873 : vector<16xf32>
        %add3A_875 = arith.constant 0 : i32
        %add3A_876 = arith.addi %add3A_875, %scan3A_818 : i32
        %get3A_877 = arith.index_cast %add3A_876 : i32 to index
        %get3A_878 = arith.constant 112 : index
        %get3A_879 = tpu.vector_load %arg9[%get3A_877, %get3A_878] {strides = array<i32>} : memref<100x128xf32, #tpu.memory_space<vmem>>, vector<1x16xf32>,
        %get3A_880 = vector.shape_cast %get3A_879 : vector<1x16xf32> to vector<16xf32>
        %add3A_881 = arith.addf %scan3A_826, %get3A_880 : vector<16xf32>
        scf.yield %add3A_832, %add3A_839, %add3A_846, %add3A_853, %add3A_860, %add3A_867, %add3A_874, %add3A_881 : vector<16xf32>, vector<16xf32>, vector<16xf32>, vector<16xf32>, vector<16xf32>, vector<16xf32>, vector<16xf32>, vector<16xf32>
      }
      %scan3A_652 = arith.constant 50 : i32
      %mul3A_653 = arith.constant 2 : i32
      %mul3A_654 = arith.muli %add3A_624, %mul3A_653 : i32
      %add3A_655 = arith.constant 0 : i32
      %add3A_656 = arith.addi %mul3A_654, %add3A_655 : i32
      %mul3A_657 = arith.constant 2.000000e-02 : f32
      %mul3A_658 = vector.broadcast %mul3A_657 : f32 to vector<16xf32>
      %mul3A_659 = arith.mulf %scan3A_651#0, %mul3A_658 : vector<16xf32>
      %swap3A_660 = arith.index_cast %add3A_656 : i32 to index
      %swap3A_661 = arith.constant 0 : index
      %swap3A_662 = tpu.vector_load %arg10[%swap3A_660, %swap3A_661] {strides = array<i32>} : memref<128x128xf32, #tpu.memory_space<vmem>>, vector<1x16xf32>,
      %swap3A_663 = vector.shape_cast %swap3A_662 : vector<1x16xf32> to vector<16xf32>
      %swap3A_664 = vector.shape_cast %mul3A_659 : vector<16xf32> to vector<1x16xf32>
      tpu.vector_store %arg10[%swap3A_660, %swap3A_661], %swap3A_664 {strides = array<i32>} : memref<128x128xf32, #tpu.memory_space<vmem>>, vector<1x16xf32>,
      %mul3A_665 = arith.constant 2.000000e-02 : f32
      %mul3A_666 = vector.broadcast %mul3A_665 : f32 to vector<16xf32>
      %mul3A_667 = arith.mulf %scan3A_651#1, %mul3A_666 : vector<16xf32>
      %swap3A_668 = arith.index_cast %add3A_656 : i32 to index
      %swap3A_669 = arith.constant 16 : index
      %swap3A_670 = tpu.vector_load %arg10[%swap3A_668, %swap3A_669] {strides = array<i32>} : memref<128x128xf32, #tpu.memory_space<vmem>>, vector<1x16xf32>,
      %swap3A_671 = vector.shape_cast %swap3A_670 : vector<1x16xf32> to vector<16xf32>
      %swap3A_672 = vector.shape_cast %mul3A_667 : vector<16xf32> to vector<1x16xf32>
      tpu.vector_store %arg10[%swap3A_668, %swap3A_669], %swap3A_672 {strides = array<i32>} : memref<128x128xf32, #tpu.memory_space<vmem>>, vector<1x16xf32>,
      %mul3A_673 = arith.constant 2.000000e-02 : f32
      %mul3A_674 = vector.broadcast %mul3A_673 : f32 to vector<16xf32>
      %mul3A_675 = arith.mulf %scan3A_651#2, %mul3A_674 : vector<16xf32>
      %swap3A_676 = arith.index_cast %add3A_656 : i32 to index
      %swap3A_677 = arith.constant 32 : index
      %swap3A_678 = tpu.vector_load %arg10[%swap3A_676, %swap3A_677] {strides = array<i32>} : memref<128x128xf32, #tpu.memory_space<vmem>>, vector<1x16xf32>,
      %swap3A_679 = vector.shape_cast %swap3A_678 : vector<1x16xf32> to vector<16xf32>
      %swap3A_680 = vector.shape_cast %mul3A_675 : vector<16xf32> to vector<1x16xf32>
      tpu.vector_store %arg10[%swap3A_676, %swap3A_677], %swap3A_680 {strides = array<i32>} : memref<128x128xf32, #tpu.memory_space<vmem>>, vector<1x16xf32>,
      %mul3A_681 = arith.constant 2.000000e-02 : f32
      %mul3A_682 = vector.broadcast %mul3A_681 : f32 to vector<16xf32>
      %mul3A_683 = arith.mulf %scan3A_651#3, %mul3A_682 : vector<16xf32>
      %swap3A_684 = arith.index_cast %add3A_656 : i32 to index
      %swap3A_685 = arith.constant 48 : index
      %swap3A_686 = tpu.vector_load %arg10[%swap3A_684, %swap3A_685] {strides = array<i32>} : memref<128x128xf32, #tpu.memory_space<vmem>>, vector<1x16xf32>,
      %swap3A_687 = vector.shape_cast %swap3A_686 : vector<1x16xf32> to vector<16xf32>
      %swap3A_688 = vector.shape_cast %mul3A_683 : vector<16xf32> to vector<1x16xf32>
      tpu.vector_store %arg10[%swap3A_684, %swap3A_685], %swap3A_688 {strides = array<i32>} : memref<128x128xf32, #tpu.memory_space<vmem>>, vector<1x16xf32>,
      %mul3A_689 = arith.constant 2.000000e-02 : f32
      %mul3A_690 = vector.broadcast %mul3A_689 : f32 to vector<16xf32>
      %mul3A_691 = arith.mulf %scan3A_651#4, %mul3A_690 : vector<16xf32>
      %swap3A_692 = arith.index_cast %add3A_656 : i32 to index
      %swap3A_693 = arith.constant 64 : index
      %swap3A_694 = tpu.vector_load %arg10[%swap3A_692, %swap3A_693] {strides = array<i32>} : memref<128x128xf32, #tpu.memory_space<vmem>>, vector<1x16xf32>,
      %swap3A_695 = vector.shape_cast %swap3A_694 : vector<1x16xf32> to vector<16xf32>
      %swap3A_696 = vector.shape_cast %mul3A_691 : vector<16xf32> to vector<1x16xf32>
      tpu.vector_store %arg10[%swap3A_692, %swap3A_693], %swap3A_696 {strides = array<i32>} : memref<128x128xf32, #tpu.memory_space<vmem>>, vector<1x16xf32>,
      %mul3A_697 = arith.constant 2.000000e-02 : f32
      %mul3A_698 = vector.broadcast %mul3A_697 : f32 to vector<16xf32>
      %mul3A_699 = arith.mulf %scan3A_651#5, %mul3A_698 : vector<16xf32>
      %swap3A_700 = arith.index_cast %add3A_656 : i32 to index
      %swap3A_701 = arith.constant 80 : index
      %swap3A_702 = tpu.vector_load %arg10[%swap3A_700, %swap3A_701] {strides = array<i32>} : memref<128x128xf32, #tpu.memory_space<vmem>>, vector<1x16xf32>,
      %swap3A_703 = vector.shape_cast %swap3A_702 : vector<1x16xf32> to vector<16xf32>
      %swap3A_704 = vector.shape_cast %mul3A_699 : vector<16xf32> to vector<1x16xf32>
      tpu.vector_store %arg10[%swap3A_700, %swap3A_701], %swap3A_704 {strides = array<i32>} : memref<128x128xf32, #tpu.memory_space<vmem>>, vector<1x16xf32>,
      %mul3A_705 = arith.constant 2.000000e-02 : f32
      %mul3A_706 = vector.broadcast %mul3A_705 : f32 to vector<16xf32>
      %mul3A_707 = arith.mulf %scan3A_651#6, %mul3A_706 : vector<16xf32>
      %swap3A_708 = arith.index_cast %add3A_656 : i32 to index
      %swap3A_709 = arith.constant 96 : index
      %swap3A_710 = tpu.vector_load %arg10[%swap3A_708, %swap3A_709] {strides = array<i32>} : memref<128x128xf32, #tpu.memory_space<vmem>>, vector<1x16xf32>,
      %swap3A_711 = vector.shape_cast %swap3A_710 : vector<1x16xf32> to vector<16xf32>
      %swap3A_712 = vector.shape_cast %mul3A_707 : vector<16xf32> to vector<1x16xf32>
      tpu.vector_store %arg10[%swap3A_708, %swap3A_709], %swap3A_712 {strides = array<i32>} : memref<128x128xf32, #tpu.memory_space<vmem>>, vector<1x16xf32>,
      %mul3A_713 = arith.constant 2.000000e-02 : f32
      %mul3A_714 = vector.broadcast %mul3A_713 : f32 to vector<16xf32>
      %mul3A_715 = arith.mulf %scan3A_651#7, %mul3A_714 : vector<16xf32>
      %swap3A_716 = arith.index_cast %add3A_656 : i32 to index
      %swap3A_717 = arith.constant 112 : index
      %swap3A_718 = tpu.vector_load %arg10[%swap3A_716, %swap3A_717] {strides = array<i32>} : memref<128x128xf32, #tpu.memory_space<vmem>>, vector<1x16xf32>,
      %swap3A_719 = vector.shape_cast %swap3A_718 : vector<1x16xf32> to vector<16xf32>
      %swap3A_720 = vector.shape_cast %mul3A_715 : vector<16xf32> to vector<1x16xf32>
      tpu.vector_store %arg10[%swap3A_716, %swap3A_717], %swap3A_720 {strides = array<i32>} : memref<128x128xf32, #tpu.memory_space<vmem>>, vector<1x16xf32>,
      %broadcast_in_dim3A_721 = arith.constant 0.000000e+00 : f32
      %broadcast_in_dim3A_722 = vector.broadcast %broadcast_in_dim3A_721 : f32 to vector<16xf32>
      %broadcast_in_dim3A_723 = arith.constant 0.000000e+00 : f32
      %broadcast_in_dim3A_724 = vector.broadcast %broadcast_in_dim3A_723 : f32 to vector<16xf32>
      %broadcast_in_dim3A_725 = arith.constant 0.000000e+00 : f32
      %broadcast_in_dim3A_726 = vector.broadcast %broadcast_in_dim3A_725 : f32 to vector<16xf32>
      %broadcast_in_dim3A_727 = arith.constant 0.000000e+00 : f32
      %broadcast_in_dim3A_728 = vector.broadcast %broadcast_in_dim3A_727 : f32 to vector<16xf32>
      %broadcast_in_dim3A_729 = arith.constant 0.000000e+00 : f32
      %broadcast_in_dim3A_730 = vector.broadcast %broadcast_in_dim3A_729 : f32 to vector<16xf32>
      %broadcast_in_dim3A_731 = arith.constant 0.000000e+00 : f32
      %broadcast_in_dim3A_732 = vector.broadcast %broadcast_in_dim3A_731 : f32 to vector<16xf32>
      %broadcast_in_dim3A_733 = arith.constant 0.000000e+00 : f32
      %broadcast_in_dim3A_734 = vector.broadcast %broadcast_in_dim3A_733 : f32 to vector<16xf32>
      %broadcast_in_dim3A_735 = arith.constant 0.000000e+00 : f32
      %broadcast_in_dim3A_736 = vector.broadcast %broadcast_in_dim3A_735 : f32 to vector<16xf32>
      %scan3A_737 = arith.constant 0 : i32
      %scan3A_738 = arith.constant 50 : i32
      %scan3A_739 = arith.addi %scan3A_737, %scan3A_738 : i32
      %scan3A_740 = arith.constant 1 : i32
      %scan3A_741:8 = scf.for %scan3A_818 = %scan3A_737 to %scan3A_739 step %scan3A_740 iter_args(%scan3A_819 = %broadcast_in_dim3A_722, %scan3A_820 = %broadcast_in_dim3A_724, %scan3A_821 = %broadcast_in_dim3A_726, %scan3A_822 = %broadcast_in_dim3A_728, %scan3A_823 = %broadcast_in_dim3A_730, %scan3A_824 = %broadcast_in_dim3A_732, %scan3A_825 = %broadcast_in_dim3A_734, %scan3A_826 = %broadcast_in_dim3A_736) -> (vector<16xf32>, vector<16xf32>, vector<16xf32>, vector<16xf32>, vector<16xf32>, vector<16xf32>, vector<16xf32>, vector<16xf32>)  : i32 {
        %add3A_827 = arith.constant 50 : i32
        %add3A_828 = arith.addi %add3A_827, %scan3A_818 : i32
        %get3A = arith.index_cast %add3A_828 : i32 to index
        %get3A_829 = arith.constant 0 : index
        %get3A_830 = tpu.vector_load %arg9[%get3A, %get3A_829] {strides = array<i32>} : memref<100x128xf32, #tpu.memory_space<vmem>>, vector<1x16xf32>,
        %get3A_831 = vector.shape_cast %get3A_830 : vector<1x16xf32> to vector<16xf32>
        %add3A_832 = arith.addf %scan3A_819, %get3A_831 : vector<16xf32>
        %add3A_833 = arith.constant 50 : i32
        %add3A_834 = arith.addi %add3A_833, %scan3A_818 : i32
        %get3A_835 = arith.index_cast %add3A_834 : i32 to index
        %get3A_836 = arith.constant 16 : index
        %get3A_837 = tpu.vector_load %arg9[%get3A_835, %get3A_836] {strides = array<i32>} : memref<100x128xf32, #tpu.memory_space<vmem>>, vector<1x16xf32>,
        %get3A_838 = vector.shape_cast %get3A_837 : vector<1x16xf32> to vector<16xf32>
        %add3A_839 = arith.addf %scan3A_820, %get3A_838 : vector<16xf32>
        %add3A_840 = arith.constant 50 : i32
        %add3A_841 = arith.addi %add3A_840, %scan3A_818 : i32
        %get3A_842 = arith.index_cast %add3A_841 : i32 to index
        %get3A_843 = arith.constant 32 : index
        %get3A_844 = tpu.vector_load %arg9[%get3A_842, %get3A_843] {strides = array<i32>} : memref<100x128xf32, #tpu.memory_space<vmem>>, vector<1x16xf32>,
        %get3A_845 = vector.shape_cast %get3A_844 : vector<1x16xf32> to vector<16xf32>
        %add3A_846 = arith.addf %scan3A_821, %get3A_845 : vector<16xf32>
        %add3A_847 = arith.constant 50 : i32
        %add3A_848 = arith.addi %add3A_847, %scan3A_818 : i32
        %get3A_849 = arith.index_cast %add3A_848 : i32 to index
        %get3A_850 = arith.constant 48 : index
        %get3A_851 = tpu.vector_load %arg9[%get3A_849, %get3A_850] {strides = array<i32>} : memref<100x128xf32, #tpu.memory_space<vmem>>, vector<1x16xf32>,
        %get3A_852 = vector.shape_cast %get3A_851 : vector<1x16xf32> to vector<16xf32>
        %add3A_853 = arith.addf %scan3A_822, %get3A_852 : vector<16xf32>
        %add3A_854 = arith.constant 50 : i32
        %add3A_855 = arith.addi %add3A_854, %scan3A_818 : i32
        %get3A_856 = arith.index_cast %add3A_855 : i32 to index
        %get3A_857 = arith.constant 64 : index
        %get3A_858 = tpu.vector_load %arg9[%get3A_856, %get3A_857] {strides = array<i32>} : memref<100x128xf32, #tpu.memory_space<vmem>>, vector<1x16xf32>,
        %get3A_859 = vector.shape_cast %get3A_858 : vector<1x16xf32> to vector<16xf32>
        %add3A_860 = arith.addf %scan3A_823, %get3A_859 : vector<16xf32>
        %add3A_861 = arith.constant 50 : i32
        %add3A_862 = arith.addi %add3A_861, %scan3A_818 : i32
        %get3A_863 = arith.index_cast %add3A_862 : i32 to index
        %get3A_864 = arith.constant 80 : index
        %get3A_865 = tpu.vector_load %arg9[%get3A_863, %get3A_864] {strides = array<i32>} : memref<100x128xf32, #tpu.memory_space<vmem>>, vector<1x16xf32>,
        %get3A_866 = vector.shape_cast %get3A_865 : vector<1x16xf32> to vector<16xf32>
        %add3A_867 = arith.addf %scan3A_824, %get3A_866 : vector<16xf32>
        %add3A_868 = arith.constant 50 : i32
        %add3A_869 = arith.addi %add3A_868, %scan3A_818 : i32
        %get3A_870 = arith.index_cast %add3A_869 : i32 to index
        %get3A_871 = arith.constant 96 : index
        %get3A_872 = tpu.vector_load %arg9[%get3A_870, %get3A_871] {strides = array<i32>} : memref<100x128xf32, #tpu.memory_space<vmem>>, vector<1x16xf32>,
        %get3A_873 = vector.shape_cast %get3A_872 : vector<1x16xf32> to vector<16xf32>
        %add3A_874 = arith.addf %scan3A_825, %get3A_873 : vector<16xf32>
        %add3A_875 = arith.constant 50 : i32
        %add3A_876 = arith.addi %add3A_875, %scan3A_818 : i32
        %get3A_877 = arith.index_cast %add3A_876 : i32 to index
        %get3A_878 = arith.constant 112 : index
        %get3A_879 = tpu.vector_load %arg9[%get3A_877, %get3A_878] {strides = array<i32>} : memref<100x128xf32, #tpu.memory_space<vmem>>, vector<1x16xf32>,
        %get3A_880 = vector.shape_cast %get3A_879 : vector<1x16xf32> to vector<16xf32>
        %add3A_881 = arith.addf %scan3A_826, %get3A_880 : vector<16xf32>
        scf.yield %add3A_832, %add3A_839, %add3A_846, %add3A_853, %add3A_860, %add3A_867, %add3A_874, %add3A_881 : vector<16xf32>, vector<16xf32>, vector<16xf32>, vector<16xf32>, vector<16xf32>, vector<16xf32>, vector<16xf32>, vector<16xf32>
      }
      %scan3A_742 = arith.constant 50 : i32
      %mul3A_743 = arith.constant 2 : i32
      %mul3A_744 = arith.muli %add3A_624, %mul3A_743 : i32
      %add3A_745 = arith.constant 1 : i32
      %add3A_746 = arith.addi %mul3A_744, %add3A_745 : i32
      %mul3A_747 = arith.constant 2.000000e-02 : f32
      %mul3A_748 = vector.broadcast %mul3A_747 : f32 to vector<16xf32>
      %mul3A_749 = arith.mulf %scan3A_741#0, %mul3A_748 : vector<16xf32>
      %swap3A_750 = arith.index_cast %add3A_746 : i32 to index
      %swap3A_751 = arith.constant 0 : index
      %swap3A_752 = tpu.vector_load %arg10[%swap3A_750, %swap3A_751] {strides = array<i32>} : memref<128x128xf32, #tpu.memory_space<vmem>>, vector<1x16xf32>,
      %swap3A_753 = vector.shape_cast %swap3A_752 : vector<1x16xf32> to vector<16xf32>
      %swap3A_754 = vector.shape_cast %mul3A_749 : vector<16xf32> to vector<1x16xf32>
      tpu.vector_store %arg10[%swap3A_750, %swap3A_751], %swap3A_754 {strides = array<i32>} : memref<128x128xf32, #tpu.memory_space<vmem>>, vector<1x16xf32>,
      %mul3A_755 = arith.constant 2.000000e-02 : f32
      %mul3A_756 = vector.broadcast %mul3A_755 : f32 to vector<16xf32>
      %mul3A_757 = arith.mulf %scan3A_741#1, %mul3A_756 : vector<16xf32>
      %swap3A_758 = arith.index_cast %add3A_746 : i32 to index
      %swap3A_759 = arith.constant 16 : index
      %swap3A_760 = tpu.vector_load %arg10[%swap3A_758, %swap3A_759] {strides = array<i32>} : memref<128x128xf32, #tpu.memory_space<vmem>>, vector<1x16xf32>,
      %swap3A_761 = vector.shape_cast %swap3A_760 : vector<1x16xf32> to vector<16xf32>
      %swap3A_762 = vector.shape_cast %mul3A_757 : vector<16xf32> to vector<1x16xf32>
      tpu.vector_store %arg10[%swap3A_758, %swap3A_759], %swap3A_762 {strides = array<i32>} : memref<128x128xf32, #tpu.memory_space<vmem>>, vector<1x16xf32>,
      %mul3A_763 = arith.constant 2.000000e-02 : f32
      %mul3A_764 = vector.broadcast %mul3A_763 : f32 to vector<16xf32>
      %mul3A_765 = arith.mulf %scan3A_741#2, %mul3A_764 : vector<16xf32>
      %swap3A_766 = arith.index_cast %add3A_746 : i32 to index
      %swap3A_767 = arith.constant 32 : index
      %swap3A_768 = tpu.vector_load %arg10[%swap3A_766, %swap3A_767] {strides = array<i32>} : memref<128x128xf32, #tpu.memory_space<vmem>>, vector<1x16xf32>,
      %swap3A_769 = vector.shape_cast %swap3A_768 : vector<1x16xf32> to vector<16xf32>
      %swap3A_770 = vector.shape_cast %mul3A_765 : vector<16xf32> to vector<1x16xf32>
      tpu.vector_store %arg10[%swap3A_766, %swap3A_767], %swap3A_770 {strides = array<i32>} : memref<128x128xf32, #tpu.memory_space<vmem>>, vector<1x16xf32>,
      %mul3A_771 = arith.constant 2.000000e-02 : f32
      %mul3A_772 = vector.broadcast %mul3A_771 : f32 to vector<16xf32>
      %mul3A_773 = arith.mulf %scan3A_741#3, %mul3A_772 : vector<16xf32>
      %swap3A_774 = arith.index_cast %add3A_746 : i32 to index
      %swap3A_775 = arith.constant 48 : index
      %swap3A_776 = tpu.vector_load %arg10[%swap3A_774, %swap3A_775] {strides = array<i32>} : memref<128x128xf32, #tpu.memory_space<vmem>>, vector<1x16xf32>,
      %swap3A_777 = vector.shape_cast %swap3A_776 : vector<1x16xf32> to vector<16xf32>
      %swap3A_778 = vector.shape_cast %mul3A_773 : vector<16xf32> to vector<1x16xf32>
      tpu.vector_store %arg10[%swap3A_774, %swap3A_775], %swap3A_778 {strides = array<i32>} : memref<128x128xf32, #tpu.memory_space<vmem>>, vector<1x16xf32>,
      %mul3A_779 = arith.constant 2.000000e-02 : f32
      %mul3A_780 = vector.broadcast %mul3A_779 : f32 to vector<16xf32>
      %mul3A_781 = arith.mulf %scan3A_741#4, %mul3A_780 : vector<16xf32>
      %swap3A_782 = arith.index_cast %add3A_746 : i32 to index
      %swap3A_783 = arith.constant 64 : index
      %swap3A_784 = tpu.vector_load %arg10[%swap3A_782, %swap3A_783] {strides = array<i32>} : memref<128x128xf32, #tpu.memory_space<vmem>>, vector<1x16xf32>,
      %swap3A_785 = vector.shape_cast %swap3A_784 : vector<1x16xf32> to vector<16xf32>
      %swap3A_786 = vector.shape_cast %mul3A_781 : vector<16xf32> to vector<1x16xf32>
      tpu.vector_store %arg10[%swap3A_782, %swap3A_783], %swap3A_786 {strides = array<i32>} : memref<128x128xf32, #tpu.memory_space<vmem>>, vector<1x16xf32>,
      %mul3A_787 = arith.constant 2.000000e-02 : f32
      %mul3A_788 = vector.broadcast %mul3A_787 : f32 to vector<16xf32>
      %mul3A_789 = arith.mulf %scan3A_741#5, %mul3A_788 : vector<16xf32>
      %swap3A_790 = arith.index_cast %add3A_746 : i32 to index
      %swap3A_791 = arith.constant 80 : index
      %swap3A_792 = tpu.vector_load %arg10[%swap3A_790, %swap3A_791] {strides = array<i32>} : memref<128x128xf32, #tpu.memory_space<vmem>>, vector<1x16xf32>,
      %swap3A_793 = vector.shape_cast %swap3A_792 : vector<1x16xf32> to vector<16xf32>
      %swap3A_794 = vector.shape_cast %mul3A_789 : vector<16xf32> to vector<1x16xf32>
      tpu.vector_store %arg10[%swap3A_790, %swap3A_791], %swap3A_794 {strides = array<i32>} : memref<128x128xf32, #tpu.memory_space<vmem>>, vector<1x16xf32>,
      %mul3A_795 = arith.constant 2.000000e-02 : f32
      %mul3A_796 = vector.broadcast %mul3A_795 : f32 to vector<16xf32>
      %mul3A_797 = arith.mulf %scan3A_741#6, %mul3A_796 : vector<16xf32>
      %swap3A_798 = arith.index_cast %add3A_746 : i32 to index
      %swap3A_799 = arith.constant 96 : index
      %swap3A_800 = tpu.vector_load %arg10[%swap3A_798, %swap3A_799] {strides = array<i32>} : memref<128x128xf32, #tpu.memory_space<vmem>>, vector<1x16xf32>,
      %swap3A_801 = vector.shape_cast %swap3A_800 : vector<1x16xf32> to vector<16xf32>
      %swap3A_802 = vector.shape_cast %mul3A_797 : vector<16xf32> to vector<1x16xf32>
      tpu.vector_store %arg10[%swap3A_798, %swap3A_799], %swap3A_802 {strides = array<i32>} : memref<128x128xf32, #tpu.memory_space<vmem>>, vector<1x16xf32>,
      %mul3A_803 = arith.constant 2.000000e-02 : f32
      %mul3A_804 = vector.broadcast %mul3A_803 : f32 to vector<16xf32>
      %mul3A_805 = arith.mulf %scan3A_741#7, %mul3A_804 : vector<16xf32>
      %swap3A_806 = arith.index_cast %add3A_746 : i32 to index
      %swap3A_807 = arith.constant 112 : index
      %swap3A_808 = tpu.vector_load %arg10[%swap3A_806, %swap3A_807] {strides = array<i32>} : memref<128x128xf32, #tpu.memory_space<vmem>>, vector<1x16xf32>,
      %swap3A_809 = vector.shape_cast %swap3A_808 : vector<1x16xf32> to vector<16xf32>
      %swap3A_810 = vector.shape_cast %mul3A_805 : vector<16xf32> to vector<1x16xf32>
      tpu.vector_store %arg10[%swap3A_806, %swap3A_807], %swap3A_810 {strides = array<i32>} : memref<128x128xf32, #tpu.memory_space<vmem>>, vector<1x16xf32>,
      %add3A_811 = arith.constant 4 : i32
      %add3A_812 = arith.addi %add3A_624, %add3A_811 : i32
      %lt3A_813 = arith.constant 64 : i32
      %lt3A_814 = arith.cmpi slt, %add3A_812, %lt3A_813 : i32
      %convert_element_type3A_815 = arith.extui %lt3A_814 : i1 to i32
      %cond3A_816 = arith.constant 0 : i32
      %cond3A_817 = arith.cmpi ne, %convert_element_type3A_815, %cond3A_816 : i32
      scf.if %cond3A_817 {
        %dma_start3A_818 = arith.constant 0 : i32
        %dma_start3A_819 = tpu.memref_slice %arg5[%add3A_812, %dma_start3A_818] : memref<64x100xi32, #tpu.memory_space<vmem>> -> memref<1x100xi32, #tpu.memory_space<vmem>>
        %dma_start3A_820 = tpu.memref_squeeze %dma_start3A_819 : memref<1x100xi32, #tpu.memory_space<vmem>> -> memref<100xi32, #tpu.memory_space<vmem>>
        %dma_start3A_821 = arith.constant 0 : i32
        %dma_start3A_822 = arith.constant 0 : i32
        %dma_start3A_823 = tpu.memref_slice %arg3[%dma_start3A_821, %dma_start3A_822] : memref<1000000x128xf32, #tpu.memory_space<hbm>> -> memref<1000000x128xf32, #tpu.memory_space<hbm>>
        tpu.enqueue_indirect_dma source(%dma_start3A_823 : memref<1000000x128xf32, #tpu.memory_space<hbm>>) target(%arg9 : memref<100x128xf32, #tpu.memory_space<vmem>>) offsets(%dma_start3A_820 : memref<100xi32, #tpu.memory_space<vmem>>) semaphore(%arg14 : memref<!tpu.dma_semaphore, #tpu.memory_space<semaphore_mem>>)
      } else {
      }
    }
    %scan3A_32 = arith.constant 16 : i32
    %mul3A_33 = arith.constant 128 : i32
    %mul3A_34 = arith.muli %add3A, %mul3A_33 : i32
    "tpu.region"() ({
      %run_scoped3A = tpu.sem_alloc : memref<!tpu.dma_semaphore, #tpu.memory_space<semaphore_mem>>
      %dma_start3A_35 = arith.constant 0 : i32
      %dma_start3A_36 = tpu.memref_slice %arg4[%mul3A_34, %dma_start3A_35] : memref<4096x128xf32, #tpu.memory_space<hbm>> -> memref<128x128xf32, #tpu.memory_space<hbm>>
      %dma_start3A_37 = arith.constant 0 : i32
      %dma_start3A_38 = tpu.memref_slice %arg4[%mul3A_34, %dma_start3A_37] : memref<4096x128xf32, #tpu.memory_space<hbm>> -> memref<128x128xf32, #tpu.memory_space<hbm>>
      tpu.enqueue_dma source(%arg10 : memref<128x128xf32, #tpu.memory_space<vmem>>) target(%dma_start3A_38 : memref<128x128xf32, #tpu.memory_space<hbm>>) target_semaphore(%run_scoped3A : memref<!tpu.dma_semaphore, #tpu.memory_space<semaphore_mem>>)
      %dma_wait3A = arith.constant 0 : i32
      %dma_wait3A_39 = tpu.memref_slice %arg4[%mul3A_34, %dma_wait3A] : memref<4096x128xf32, #tpu.memory_space<hbm>> -> memref<128x128xf32, #tpu.memory_space<hbm>>
      %dma_wait3A_40 = arith.constant 0 : i32
      %dma_wait3A_41 = tpu.memref_slice %arg4[%mul3A_34, %dma_wait3A_40] : memref<4096x128xf32, #tpu.memory_space<hbm>> -> memref<128x128xf32, #tpu.memory_space<hbm>>
      tpu.wait_dma2 semaphore(%run_scoped3A : memref<!tpu.dma_semaphore, #tpu.memory_space<semaphore_mem>>) src(%arg10 : memref<128x128xf32, #tpu.memory_space<vmem>>) dst(%dma_wait3A_41 : memref<128x128xf32, #tpu.memory_space<hbm>>)
      tpu.yield
    }) : () -> ()
    return
  }
}

module attributes {stable_mosaic.version = 14 : i64} {
  func.func @body(%arg0: i32, %arg1: memref<512x128xf32, #tpu.memory_space<vmem>>, %arg2: memref<128x512xf32, #tpu.memory_space<vmem>>, %arg3: memref<1x512xf32, #tpu.memory_space<vmem>>, %arg4: memref<512x1024xf32, #tpu.memory_space<vmem>>, %arg5: memref<1x1024xf32, #tpu.memory_space<vmem>>, %arg6: memref<1024x1024xf32, #tpu.memory_space<vmem>>, %arg7: memref<1x1024xf32, #tpu.memory_space<vmem>>, %arg8: memref<1024x128xf32, #tpu.memory_space<vmem>>, %arg9: memref<1x128xf32, #tpu.memory_space<vmem>>, %arg10: memref<128x1000xf32, #tpu.memory_space<vmem>>, %arg11: memref<1x1000xf32, #tpu.memory_space<vmem>>, %arg12: memref<512x1000xf32, #tpu.memory_space<vmem>>) attributes {dimension_semantics = [#tpu.dimension_semantics<arbitrary>], iteration_bounds = array<i64: 8>, scalar_prefetch = 0 : i64, scratch_operands = 0 : i64, tpu.core_type = #tpu.core_type<tc>, window_params = [{transform_indices = @transform_0, window_bounds = array<i64: 512, 128>}, {pipeline_mode = #tpu.pipeline_mode<synchronous>, transform_indices = @transform_1, window_bounds = array<i64: 128, 512>}, {pipeline_mode = #tpu.pipeline_mode<synchronous>, transform_indices = @transform_2, window_bounds = array<i64: 1, 512>}, {pipeline_mode = #tpu.pipeline_mode<synchronous>, transform_indices = @transform_3, window_bounds = array<i64: 512, 1024>}, {pipeline_mode = #tpu.pipeline_mode<synchronous>, transform_indices = @transform_4, window_bounds = array<i64: 1, 1024>}, {pipeline_mode = #tpu.pipeline_mode<synchronous>, transform_indices = @transform_5, window_bounds = array<i64: 1024, 1024>}, {pipeline_mode = #tpu.pipeline_mode<synchronous>, transform_indices = @transform_6, window_bounds = array<i64: 1, 1024>}, {pipeline_mode = #tpu.pipeline_mode<synchronous>, transform_indices = @transform_7, window_bounds = array<i64: 1024, 128>}, {pipeline_mode = #tpu.pipeline_mode<synchronous>, transform_indices = @transform_8, window_bounds = array<i64: 1, 128>}, {pipeline_mode = #tpu.pipeline_mode<synchronous>, transform_indices = @transform_9, window_bounds = array<i64: 128, 1000>}, {pipeline_mode = #tpu.pipeline_mode<synchronous>, transform_indices = @transform_10, window_bounds = array<i64: 1, 1000>}, {transform_indices = @transform_11, window_bounds = array<i64: 512, 1000>}]} {
    %get3A = arith.constant 0 : index
    %get3A_0 = arith.constant 0 : index
    %get3A_1 = vector.load %arg1[%get3A, %get3A_0] : memref<512x128xf32, #tpu.memory_space<vmem>>, vector<512x128xf32>
    %get3A_2 = arith.constant 0 : index
    %get3A_3 = arith.constant 0 : index
    %get3A_4 = vector.load %arg2[%get3A_2, %get3A_3] : memref<128x512xf32, #tpu.memory_space<vmem>>, vector<128x512xf32>
    %dot_general3A = arith.constant dense<0.000000e+00> : vector<512x512xf32>
    %dot_general3A_5 = tpu.matmul %get3A_1, %get3A_4, %dot_general3A {dimension_numbers = #tpu.dot_dimension_numbers<[1], [0], [0], [1], [0, 0, 1, 1], [], []>, transpose_lhs_hint = false} : vector<512x128xf32>, vector<128x512xf32>, vector<512x512xf32> -> vector<512x512xf32>
    %get3A_6 = arith.constant 0 : index
    %get3A_7 = arith.constant 0 : index
    %get3A_8 = vector.load %arg3[%get3A_6, %get3A_7] : memref<1x512xf32, #tpu.memory_space<vmem>>, vector<1x512xf32>
    %add3A = vector.broadcast %get3A_8 : vector<1x512xf32> to vector<512x512xf32>
    %add3A_9 = arith.addf %dot_general3A_5, %add3A : vector<512x512xf32>
    %max3A = arith.constant 0.000000e+00 : f32
    %max3A_10 = vector.broadcast %max3A : f32 to vector<512x512xf32>
    %max3A_11 = arith.maximumf %add3A_9, %max3A_10 : vector<512x512xf32>
    %get3A_12 = arith.constant 0 : index
    %get3A_13 = arith.constant 0 : index
    %get3A_14 = vector.load %arg4[%get3A_12, %get3A_13] : memref<512x1024xf32, #tpu.memory_space<vmem>>, vector<512x1024xf32>
    %dot_general3A_15 = arith.constant dense<0.000000e+00> : vector<512x1024xf32>
    %dot_general3A_16 = tpu.matmul %max3A_11, %get3A_14, %dot_general3A_15 {dimension_numbers = #tpu.dot_dimension_numbers<[1], [0], [0], [1], [0, 0, 1, 1], [], []>, transpose_lhs_hint = false} : vector<512x512xf32>, vector<512x1024xf32>, vector<512x1024xf32> -> vector<512x1024xf32>
    %get3A_17 = arith.constant 0 : index
    %get3A_18 = arith.constant 0 : index
    %get3A_19 = vector.load %arg5[%get3A_17, %get3A_18] : memref<1x1024xf32, #tpu.memory_space<vmem>>, vector<1x1024xf32>
    %add3A_20 = vector.broadcast %get3A_19 : vector<1x1024xf32> to vector<512x1024xf32>
    %add3A_21 = arith.addf %dot_general3A_16, %add3A_20 : vector<512x1024xf32>
    %max3A_22 = arith.constant 0.000000e+00 : f32
    %max3A_23 = vector.broadcast %max3A_22 : f32 to vector<512x1024xf32>
    %max3A_24 = arith.maximumf %add3A_21, %max3A_23 : vector<512x1024xf32>
    %get3A_25 = arith.constant 0 : index
    %get3A_26 = arith.constant 0 : index
    %get3A_27 = vector.load %arg6[%get3A_25, %get3A_26] : memref<1024x1024xf32, #tpu.memory_space<vmem>>, vector<1024x1024xf32>
    %dot_general3A_28 = arith.constant dense<0.000000e+00> : vector<512x1024xf32>
    %dot_general3A_29 = tpu.matmul %max3A_24, %get3A_27, %dot_general3A_28 {dimension_numbers = #tpu.dot_dimension_numbers<[1], [0], [0], [1], [0, 0, 1, 1], [], []>, transpose_lhs_hint = false} : vector<512x1024xf32>, vector<1024x1024xf32>, vector<512x1024xf32> -> vector<512x1024xf32>
    %get3A_30 = arith.constant 0 : index
    %get3A_31 = arith.constant 0 : index
    %get3A_32 = vector.load %arg7[%get3A_30, %get3A_31] : memref<1x1024xf32, #tpu.memory_space<vmem>>, vector<1x1024xf32>
    %add3A_33 = vector.broadcast %get3A_32 : vector<1x1024xf32> to vector<512x1024xf32>
    %add3A_34 = arith.addf %dot_general3A_29, %add3A_33 : vector<512x1024xf32>
    %max3A_35 = arith.constant 0.000000e+00 : f32
    %max3A_36 = vector.broadcast %max3A_35 : f32 to vector<512x1024xf32>
    %max3A_37 = arith.maximumf %add3A_34, %max3A_36 : vector<512x1024xf32>
    %get3A_38 = arith.constant 0 : index
    %get3A_39 = arith.constant 0 : index
    %get3A_40 = vector.load %arg8[%get3A_38, %get3A_39] : memref<1024x128xf32, #tpu.memory_space<vmem>>, vector<1024x128xf32>
    %dot_general3A_41 = arith.constant dense<0.000000e+00> : vector<512x128xf32>
    %dot_general3A_42 = tpu.matmul %max3A_37, %get3A_40, %dot_general3A_41 {dimension_numbers = #tpu.dot_dimension_numbers<[1], [0], [0], [1], [0, 0, 1, 1], [], []>, transpose_lhs_hint = false} : vector<512x1024xf32>, vector<1024x128xf32>, vector<512x128xf32> -> vector<512x128xf32>
    %get3A_43 = arith.constant 0 : index
    %get3A_44 = arith.constant 0 : index
    %get3A_45 = vector.load %arg9[%get3A_43, %get3A_44] : memref<1x128xf32, #tpu.memory_space<vmem>>, vector<1x128xf32>
    %add3A_46 = vector.broadcast %get3A_45 : vector<1x128xf32> to vector<512x128xf32>
    %add3A_47 = arith.addf %dot_general3A_42, %add3A_46 : vector<512x128xf32>
    %max3A_48 = arith.constant 0.000000e+00 : f32
    %max3A_49 = vector.broadcast %max3A_48 : f32 to vector<512x128xf32>
    %max3A_50 = arith.maximumf %add3A_47, %max3A_49 : vector<512x128xf32>
    %get3A_51 = arith.constant 0 : index
    %get3A_52 = arith.constant 0 : index
    %get3A_53 = vector.load %arg10[%get3A_51, %get3A_52] : memref<128x1000xf32, #tpu.memory_space<vmem>>, vector<128x1000xf32>
    %dot_general3A_54 = arith.constant dense<0.000000e+00> : vector<512x1000xf32>
    %dot_general3A_55 = tpu.matmul %max3A_50, %get3A_53, %dot_general3A_54 {dimension_numbers = #tpu.dot_dimension_numbers<[1], [0], [0], [1], [0, 0, 1, 1], [], []>, transpose_lhs_hint = false} : vector<512x128xf32>, vector<128x1000xf32>, vector<512x1000xf32> -> vector<512x1000xf32>
    %get3A_56 = arith.constant 0 : index
    %get3A_57 = arith.constant 0 : index
    %get3A_58 = vector.load %arg11[%get3A_56, %get3A_57] : memref<1x1000xf32, #tpu.memory_space<vmem>>, vector<1x1000xf32>
    %add3A_59 = vector.broadcast %get3A_58 : vector<1x1000xf32> to vector<512x1000xf32>
    %add3A_60 = arith.addf %dot_general3A_55, %add3A_59 : vector<512x1000xf32>
    %swap3A = arith.constant 0 : index
    %swap3A_61 = arith.constant 0 : index
    %swap3A_62 = vector.load %arg12[%swap3A, %swap3A_61] : memref<512x1000xf32, #tpu.memory_space<vmem>>, vector<512x1000xf32>
    tpu.vector_store %arg12[%swap3A, %swap3A_61], %add3A_60 {strides = array<i32>} : memref<512x1000xf32, #tpu.memory_space<vmem>>, vector<512x1000xf32>,
    return
  }
  func.func @transform_0(%arg0: i32) -> (i32, i32) {
    %c0_i32 = arith.constant 0 : i32
    %c0_i32_0 = arith.constant 0 : i32
    return %arg0, %c0_i32 : i32, i32
  }
  func.func @transform_1(%arg0: i32) -> (i32, i32) {
    %c0_i32 = arith.constant 0 : i32
    %c0_i32_0 = arith.constant 0 : i32
    %c0_i32_1 = arith.constant 0 : i32
    return %c0_i32, %c0_i32_0 : i32, i32
  }
  func.func @transform_2(%arg0: i32) -> (i32, i32) {
    %c0_i32 = arith.constant 0 : i32
    %c0_i32_0 = arith.constant 0 : i32
    %c0_i32_1 = arith.constant 0 : i32
    return %c0_i32, %c0_i32_0 : i32, i32
  }
  func.func @transform_3(%arg0: i32) -> (i32, i32) {
    %c0_i32 = arith.constant 0 : i32
    %c0_i32_0 = arith.constant 0 : i32
    %c0_i32_1 = arith.constant 0 : i32
    return %c0_i32, %c0_i32_0 : i32, i32
  }
  func.func @transform_4(%arg0: i32) -> (i32, i32) {
    %c0_i32 = arith.constant 0 : i32
    %c0_i32_0 = arith.constant 0 : i32
    %c0_i32_1 = arith.constant 0 : i32
    return %c0_i32, %c0_i32_0 : i32, i32
  }
  func.func @transform_5(%arg0: i32) -> (i32, i32) {
    %c0_i32 = arith.constant 0 : i32
    %c0_i32_0 = arith.constant 0 : i32
    %c0_i32_1 = arith.constant 0 : i32
    return %c0_i32, %c0_i32_0 : i32, i32
  }
  func.func @transform_6(%arg0: i32) -> (i32, i32) {
    %c0_i32 = arith.constant 0 : i32
    %c0_i32_0 = arith.constant 0 : i32
    %c0_i32_1 = arith.constant 0 : i32
    return %c0_i32, %c0_i32_0 : i32, i32
  }
  func.func @transform_7(%arg0: i32) -> (i32, i32) {
    %c0_i32 = arith.constant 0 : i32
    %c0_i32_0 = arith.constant 0 : i32
    %c0_i32_1 = arith.constant 0 : i32
    return %c0_i32, %c0_i32_0 : i32, i32
  }
  func.func @transform_8(%arg0: i32) -> (i32, i32) {
    %c0_i32 = arith.constant 0 : i32
    %c0_i32_0 = arith.constant 0 : i32
    %c0_i32_1 = arith.constant 0 : i32
    return %c0_i32, %c0_i32_0 : i32, i32
  }
  func.func @transform_9(%arg0: i32) -> (i32, i32) {
    %c0_i32 = arith.constant 0 : i32
    %c0_i32_0 = arith.constant 0 : i32
    %c0_i32_1 = arith.constant 0 : i32
    return %c0_i32, %c0_i32_0 : i32, i32
  }
  func.func @transform_10(%arg0: i32) -> (i32, i32) {
    %c0_i32 = arith.constant 0 : i32
    %c0_i32_0 = arith.constant 0 : i32
    %c0_i32_1 = arith.constant 0 : i32
    return %c0_i32, %c0_i32_0 : i32, i32
  }
  func.func @transform_11(%arg0: i32) -> (i32, i32) {
    %c0_i32 = arith.constant 0 : i32
    %c0_i32_0 = arith.constant 0 : i32
    return %arg0, %c0_i32 : i32, i32
  }
}

</mosaic_0001>

<sc_bundles>
// kernel: kernel.4.cloned.1.call-start
scs
__scs_entry_jumppad:
0x0: {  	(pc) =	sbr.rel $0x88, $3  }
0x1: {  	(tag) =	ssettag $0x0;
	lr =	simm.s32 $0x1  }
0x2: {  	[smem:$0x3F95] =	sst lr;
	_ =	strace $0xD0000000  }
0x3: {  	_ = 	snop  }
0x4: {  	_ = 	snop  }
0x5: {  	_ = 	snop  }
0x6: {  	_ = 	snop  }
0x7: {  	_ = 	snop  }
__scs_overlays_trampoline_lowered:
0x8: {  	[smem:$0x3FA4] =	sst s0  }
0x9: {  	[smem:$0x3FA5] =	sst s1  }
0xa: {  	[smem:$0x3FA6] =	sst s2  }
0xb: {  	[smem:$0x3FA7] =	sst s3  }
0xc: {  	[smem:$0x3FA8] =	sst s4  }
0xd: {  	[smem:$0x3FA9] =	sst s5  }
0xe: {  	[smem:$0x3FAA] =	sst s6  }
0xf: {  	[smem:$0x3FAB] =	sst s7  }
0x10: {  	[smem:$0x3FAC] =	sst s8  }
0x11: {  	[smem:$0x3FAD] =	sst s9;
	s0 =	simm.s32 @!p0 $0x0  }
0x12: {  	s1 =	sld [smem:$0x3F93];
	s0 =	simm.s32 @p0 $0x1  }
0x13: {  	[smem:$0x3FAE] =	sst s0;
	s0 =	simm.s32 @!p1 $0x0  }
0x14: {  	s2 =	sld [smem:$0x3F92];
	s0 =	simm.s32 @p1 $0x1  }
0x15: {  	[smem:$0x3FAF] =	sst s0;
	s0 =	simm.s32 @!p2 $0x0  }
0x16: {  	s3 =	sld [smem:$0x3FDB];
	s0 =	simm.s32 @p2 $0x1  }
0x17: {  	s4 =	simm.s32 $0x1BF5;
	[smem:$0x3FB1] =	sst s0  }
0x18: {  	s0 =	sld [smem:$0x3F94];
	_ =	swait.ge [sflag:s4], $0x0  }
0x19: {  	s7 =	sld [smem:$0x3F95]  }
0x1a: {  	s8 =	sadd.s32 $0xFFFFE003, lr  }
0x1b: {  	s9 =	sadd.s32 $0xFFFFFEF7, lr;
	s5 =	simm.s32 $0xFFFFFFFF;
	p2 =	slt.u32 s8, $0xFFFFF086  }
0x1c: {  	p1 =	slt.u32 s9, $0xF7A;
	s5 =	simm.s32 @!p2 $0x0  }
0x1d: {  	s5 =	simm.s32 @p1 $0x1;
	p0 =	seq.s32 s7, s2  }
0x1e: {  	s7 =	smul.u32 @!p0 $0xF7A, s2;
	p2 =	seq.s32 @!p0 s5, $0x0  }
0x1f: {  	s9 =	smul.u32 $0xF7A, s1;
	s8 =	simm.s32 @!p0 $0x1BF5;
	p2 =	por !p2, p0  }
0x20: {  	[sflag:s8] =	ssyncset.s32 @!p0 $0xFFFFF086;
	s6 =	sadd.s32 @!p0 s3, s7;
	s7 =	simm.s32 @!p0 $0x108  }
0x21: {  	s3 =	sadd.s32 s3, s9;
	s6 =	sadd.s32 @!p0 $0x88, s6;
	s7 =	simm.s32 @p2 $0x1082  }
0x22: {  	[simem:s7], [sflag:s8] =	dma.local @!p0 [hbm:s6], $0xF7A  }
0x23: {  	s9 =	sor.u32 $0xD0000000, s2;
	s6 =	simm.s32 $0x108;
	_ =	swait.ge @!p0 [sflag:s8], $0x0  }
0x24: {  	s3 =	sadd.s32 $0x88, s3;
	s6 =	simm.s32 @!p1 $0x1082;
	[sflag:s4] =	ssyncset.s32 $0xFFFFF086  }
0x25: {  	[simem:s6], [sflag:s4] =	dma.local [hbm:s3], $0xF7A  }
0x26: {  	[smem:$0x3F95] =	sst s1;
	(tag) =	ssettag s2;
	_ =	strace s9  }
0x27: {  	s1 =	sld [smem:$0x3FA5]  }
0x28: {  	s2 =	sld [smem:$0x3FA6]  }
0x29: {  	s4 =	sld [smem:$0x3FA8]  }
0x2a: {  	p0 =	seq.s32 s5, $0x0;
	s5 =	sld [smem:$0x3FA9]  }
0x2b: {  	s6 =	sld [smem:$0x3FAA]  }
0x2c: {  	s7 =	sld [smem:$0x3FAB]  }
0x2d: {  	s3 =	simm.s32 $0x108;
	s8 =	sld [smem:$0x3FAC]  }
0x2e: {  	s3 =	simm.s32 @!p0 $0x1082;
	s9 =	sld [smem:$0x3FAD]  }
0x2f: {  	lr =	sadd.s32 s0, s3;
	s0 =	sld [smem:$0x3FA4]  }
0x30: {  	s3 =	sld [smem:$0x3FA7]  }
0x31: {  	[smem:$0x3FB0] =	sst s10  }
0x32: {  	s10 =	sld [smem:$0x3FAE];
	_ =	sdelay $0x3  }
0x33: {  	p0 =	seq.s32 s10, $0x1;
	s10 =	sld [smem:$0x3FB0];
	_ =	sdelay $0x3  }
0x34: {  	[smem:$0x3FB0] =	sst s10  }
0x35: {  	s10 =	sld [smem:$0x3FAF];
	_ =	sdelay $0x3  }
0x36: {  	p1 =	seq.s32 s10, $0x1;
	s10 =	sld [smem:$0x3FB0];
	_ =	sdelay $0x3  }
0x37: {  	[smem:$0x3FB0] =	sst s10  }
0x38: {  	s10 =	sld [smem:$0x3FB1]  }
0x39: {  	_ = 	snop;
	(pc) =	sbr.ind lr, $3  }
0x3a: {  	_ = 	snop  }
0x3b: {  	_ = 	snop  }
0x3c: {  	p2 =	seq.s32 s10, $0x1;
	s10 =	sld [smem:$0x3FB0]  }
0x3d: {  	_ =	shalt  }
0x3e: {  	_ =	shalt  }
0x3f: {  	_ =	shalt  }
0x40: {  	_ =	shalt  }
0x41: {  	_ =	shalt  }
0x42: {  	_ =	shalt  }
0x43: {  	_ =	shalt  }
0x44: {  	_ =	shalt  }
0x45: {  	_ =	shalt  }
0x46: {  	_ =	shalt  }
0x47: {  	_ =	shalt  }
0x48: {  	_ =	shalt  }
0x49: {  	_ =	shalt  }
0x4a: {  	_ =	shalt  }
0x4b: {  	_ =	shalt  }
0x4c: {  	_ =	shalt  }
0x4d: {  	_ =	shalt  }
0x4e: {  	_ =	shalt  }
0x4f: {  	_ =	shalt  }
0x50: {  	_ =	shalt  }
0x51: {  	_ =	shalt  }
0x52: {  	_ =	shalt  }
0x53: {  	_ =	shalt  }
0x54: {  	_ =	shalt  }
0x55: {  	_ =	shalt  }
0x56: {  	_ =	shalt  }
0x57: {  	_ =	shalt  }
0x58: {  	_ =	shalt  }
0x59: {  	_ =	shalt  }
0x5a: {  	_ =	shalt  }
0x5b: {  	_ =	shalt  }
0x5c: {  	_ =	shalt  }
0x5d: {  	_ =	shalt  }
0x5e: {  	_ =	shalt  }
0x5f: {  	_ =	shalt  }
0x60: {  	_ =	shalt  }
0x61: {  	_ =	shalt  }
0x62: {  	_ =	shalt  }
0x63: {  	_ =	shalt  }
0x64: {  	_ =	shalt  }
0x65: {  	_ =	shalt  }
0x66: {  	_ =	shalt  }
0x67: {  	_ =	shalt  }
0x68: {  	_ =	shalt  }
0x69: {  	_ =	shalt  }
0x6a: {  	_ =	shalt  }
0x6b: {  	_ =	shalt  }
0x6c: {  	_ =	shalt  }
0x6d: {  	_ =	shalt  }
0x6e: {  	_ =	shalt  }
0x6f: {  	_ =	shalt  }
0x70: {  	_ =	shalt  }
0x71: {  	_ =	shalt  }
0x72: {  	_ =	shalt  }
0x73: {  	_ =	shalt  }
0x74: {  	_ =	shalt  }
0x75: {  	_ =	shalt  }
0x76: {  	_ =	shalt  }
0x77: {  	_ =	shalt  }
0x78: {  	_ =	shalt  }
0x79: {  	_ =	shalt  }
0x7a: {  	_ =	shalt  }
0x7b: {  	_ =	shalt  }
0x7c: {  	_ =	shalt  }
0x7d: {  	_ =	shalt  }
0x7e: {  	_ =	shalt  }
0x7f: {  	_ =	shalt  }
0x80: {  	_ =	shalt  }
0x81: {  	_ =	shalt  }
0x82: {  	_ =	shalt  }
0x83: {  	_ =	shalt  }
0x84: {  	_ =	shalt  }
0x85: {  	_ =	shalt  }
0x86: {  	_ =	shalt  }
0x87: {  	_ =	shalt  }
.Lfunc_end0:
.L_simem_size_0:
called_computation_lowered:
.L_overlay_start_0:
0x88: {  	s2 =	sld [smem:$0x3FD9]  }
0x89: {  	s3 =	sld [smem:$0x3FFE];
	_ =	sdelay $0x1  }
0x8a: {  	s1 =	srdreg.scid  }
0x8b: {  	s0 =	sand.u32 $0x1, s1  }
0x8c: {  	s17 =	sshll.u32 s0, $0xA;
	s2 =	sadd.s32 s3, s2  }
0x8d: {  	s2 =	sadd.s32 s2, s17  }
0x8e: {  	[smem:$0x3FBC] =	sst s2  }
0x8f: {  	_ = 	snop  }
0x90: {  	s2 =	sld [smem:$0x3FC8]  }
0x91: {  	s18 =	sld [smem:$0x3FD0];
	(tm) =	ssettm $0x1  }
0x92: {  	s4 =	sld [smem:$0x3FFB];
	_ =	sdelay $0x3  }
0x93: {  	_ =	strace s4  }
0x94: {  	s4 =	sld [smem:$0x3FFC];
	_ =	sdelay $0x3  }
0x95: {  	_ =	strace s4  }
0x96: {  	s4 =	sld [smem:$0x3FFD];
	_ =	sdelay $0x3  }
0x97: {  	_ =	strace s4  }
0x98: {  	_ =	strace $0x8FFFFFFF  }
0x99: {  	s19 =	sld [smem:$0x3FDB];
	_ =	sdelay $0x1  }
0x9a: {  	s5 =	simm.s32 $_scs_section_size  }
0x9b: {  	s6 =	simm.s32 $_size__tile_overlayer_lowered;
	s7 =	simm.s32 $_tile_overlayer_lowered  }
0x9c: {  	s22 =	simm.s32 $0x1BFF;
	s21 =	sshll.u32 s7, $0x1;
	s4 =	sadd.s32 s5, s19  }
0x9d: {  	s8 =	simm.s32 $0x0;
	s20 =	sshll.u32 s6, $0x1;
	s6 =	sadd.s32 s21, s4  }
0x9e: {  	[timem:s8], [sflag:s22] =	dma.local [hbm:s6], s20  }
0x9f: {  	_ =	swait.ge [sflag:s22], s20  }
0xa0: {  	s5 =	ssub.s32 $0x0, s20;
	[sflag:s22] =	ssyncset.done $0x0  }
0xa1: {  	[sflag:s22] =	ssyncadd.s32 s5;
	_ =	sdelay $0x1  }
0xa2: {  	s23 =	simm.s32 $0x1B8B  }
0xa3: {  	_ =	swait.ge [sflag:s23], $0x1  }
0xa4: {  	[sflag:s23] =	ssyncset.done $0x0  }
0xa5: {  	s25 =	simm.s32 $0x1B8E;
	s24 =	sld [smem:$0x3FFE];
	[sflag:s23] =	ssyncadd.s32 $0xFFFFFFFF  }
0xa6: {  	s26 =	simm.s32 $execute0_lowered;
	[smem:$0x3FD2] =	sst s25  }
0xa7: {  	s6 =	sshll.u32 s26, $0x1;
	_ =	strace $0x80000046;
	[dreg:$0x1] =	wrdreg $0xFFFFFFFF  }
0xa8: {  	s28 =	simm.s32 $_size_execute0_lowered;
	s4 =	sadd.s32 s4, s6;
	[dreg:$0x0] =	wrdreg $0x0  }
0xa9: {  	s6 =	sshll.u32 s28, $0x1;
	[dreg:$0x2] =	wrdreg s4  }
0xaa: {  	[dreg:$0x3] =	wrdreg s6  }
0xab: {  	[dreg:$0x4] =	wrdreg $0xC0  }
0xac: {  	_ =	task [dreg:s8], $0x5FFFF  }
0xad: {  	[dreg:$0x1] =	wrdreg $0xFFFFFFFF  }
0xae: {  	[dreg:$0x0] =	wrdreg $0x60  }
0xaf: {  	[dreg:$0x2] =	wrdreg s24  }
0xb0: {  	[dreg:$0x3] =	wrdreg s2  }
0xb1: {  	[dreg:$0x4] =	wrdreg s18  }
0xb2: {  	[dreg:$0x5] =	wrdreg $0x9  }
0xb3: {  	_ =	task.clear_ibuf [dreg:s8], $0x6FFFF;
	_ =	strace $0x90000046  }
0xb4: {  	s29 =	simm.s32 $0x9;
	_ =	strace $0x80000048  }
0xb5: {  	_ =	swait.ge [sflag:s29], $0x1  }
0xb6: {  	[sflag:s29] =	ssyncadd.s32 $0xFFFFFFFF  }
0xb7: {  	_ =	strace $0x90000048  }
0xb8: {  	_ =	sfence  }
0xb9: {  	s30 =	sld [smem:$0x0];
	_ =	sdelay $0x2  }
0xba: {  	s31 =	sshll.u32 s1, $0xD;
	s1 =	sshrl.u32 s1, $0x2  }
0xbb: {  	s3 =	sand.u32 $0x4000, s31;
	s1 =	sadd.s32 s1, s30  }
0xbc: {  	s0 =	sor.u32 s3, s0;
	s1 =	sshll.u32 s1, $0x11  }
0xbd: {  	s0 =	sor.u32 s1, s0  }
0xbe: {  	s0 =	sadd.s32 $0x8F2B, s0  }
0xbf: {  	[sflag:s0] =	ssyncadd.remote.s32 $0x1  }
0xc0: {  	_ =	sfence.sel $0xFFFF  }
0xc1: {  	[dreg:$0x0] =	wrdreg $0xFFFFFFFF;
	(pc) =	sbr.abs _section_cstart, $3  }
0xc2: {  	[dreg:$0x1] =	wrdreg $0xFFFFFFFF  }
0xc3: {  	_ =	task.clear_ibuf [dreg:s8], $0x2FFFF;
	_ =	strace $0x9FFFFFFF  }
0xc4: {  	(tm) =	ssettm $0x7FFFFFFF  }
0xc5: {  	_ =	shalt  }
tec
execute0_lowered:
.L_overlay_start_1:
0x0: {  	(tag) =	ssettag $0x1  }
0x1: {  	s4 =	rddreg [dreg:$0x0]  }
0x2: {  	s2 =	rddreg [dreg:$0x1]  }
0x3: {  	s5 =	rddreg [dreg:$0x2]  }
0x4: {  	s0 =	rddreg [dreg:$0x3]  }
0x5: {  	s6 =	srdreg.scid;
	s1 =	stileid.u32;
	s3 =	simm.s32 $0x0  }
0x6: {  	s10 =	simm.s32 $0x80;
	s11 =	simm.s32 $0x5400;
	s12 =	simm.s32 $0x100  }
0x7: {  	s13 =	simm.s32 $0x8800;
	s14 =	simm.s32 $0x180;
	s15 =	simm.s32 $0xBC00  }
0x8: {  	s16 =	simm.s32 $0x1;
	s17 =	simm.s32 $0x2;
	s18 =	simm.s32 $0x3  }
0x9: {  	s19 =	simm.s32 $0x4;
	s20 =	simm.s32 $0xF000;
	s21 =	simm.s32 $0x0  }
0xa: {  	s6 =	sand.u32 $0x1, s6;
	s7 =	sshll.u32 s1, $0x1;
	[smem:$0x7FF] =	sst s3  }
.Ltmp0:
0xb: {  	s7 =	sor.u32 s6, s7;
	s6 =	ssub.s32 $0x2, s6;
	(pc) =	sbr.rel .LBB2_1-.Ltmp0, $4  }
0xc: {  	_ =	strace $0x80000047;
	s8 =	sshll.u32 s7, $0xA;
	s9 =	sshrl.u32 s6, $0x1  }
0xd: {  	s7 =	sshll.u32 s7, $0xB;
	s4 =	sadd.s32 s8, s4;
	s6 =	ssub.s32 s6, s9  }
0xe: {  	s5 =	sadd.s32 s5, s7;
	s7 =	simm.s32 $0x5;
	s8 =	simm.s32 $0x64  }
0xf: {  	s9 =	simm.s32 $0x2000;
	s4 =	sadd.s32 $0x1A00, s4;
	s6 =	smax.u32 s6, $0x1  }
.LBB2_20:
0x10: {  	s21 =	sadd.s32 $0x1, s21  }
0x11: {  	p0 =	sne.s32 s21, s6  }
.Ltmp1:
0x12: {  	_ = 	snop;
	(pc) =	sbr.rel @!p0 .LBB2_21-.Ltmp1, $4  }
0x13: {  	[hbm4b:s5+s3] =	stream.linear.scatter [tilespmem:s20], [sflag:$0x5], $0x4000, $0x38;
	[tilespmem:$0x13000] =	vst v63  }
0x14: {  	_ =	swait.ge [sflag:s7], $0x4000  }
0x15: {  	[sflag:s7] =	ssyncset.done $0x0  }
0x16: {  	[sflag:s7] =	ssyncadd.s32 $0xFFFFC000  }
.LBB2_1:
0x17: {  	[tilespmem:s3], [sflag:$0x5] =	stream.linear.gather [hbm4b:s4+s3], $0x2000, $0x38;
	[tilespmem:$0x13000] =	vst v63  }
0x18: {  	_ =	swait.ge [sflag:s7], $0x2000  }
0x19: {  	[sflag:s7] =	ssyncset.done $0x0  }
0x1a: {  	[sflag:s7] =	ssyncadd.s32 $0xFFFFE000  }
0x1b: {  	[tilespmem:s9], [sflag:$0x1] =	stream.indirect.gather [hbm4b:s2+s8], $0x80, s3, s8, $0xb8;
	[tilespmem:$0x13000] =	vst v63  }
0x1c: {  	_ = 	snop  }
0x1d: {  	[tilespmem:s11], [sflag:$0x2] =	stream.indirect.gather [hbm4b:s2+s8], $0x80, s10, s8, $0xb8;
	[tilespmem:$0x13000] =	vst v63  }
0x1e: {  	_ = 	snop  }
0x1f: {  	[tilespmem:s13], [sflag:$0x3] =	stream.indirect.gather [hbm4b:s2+s8], $0x80, s12, s8, $0xb8;
	[tilespmem:$0x13000] =	vst v63  }
0x20: {  	s22 =	simm.s32 $0x0  }
0x21: {  	[tilespmem:s15], [sflag:$0x4] =	stream.indirect.gather [hbm4b:s2+s8], $0x80, s14, s8, $0xb8;
	[tilespmem:$0x13000] =	vst v63  }
.LBB2_2:
0x22: {  	_ =	swait.ge [sflag:s16], $0x3200  }
0x23: {  	[sflag:s16] =	ssyncset.done $0x0  }
0x24: {  	s25 =	simm.s32 $0x0;
	[sflag:s16] =	ssyncadd.s32 $0xFFFFCE00  }
0x25: {  	v0 =	vld [tilespmem:s25+$0x2070]  }
0x26: {  	v1 =	vld [tilespmem:s25+$0x2000]  }
0x27: {  	v3 =	vld [tilespmem:s25+$0x2010]  }
0x28: {  	v12 =	vld [tilespmem:s25+$0x2020]  }
0x29: {  	v11 =	vld [tilespmem:s25+$0x2030]  }
0x2a: {  	v2 =	vimm.f32 $0.0e+00;
	v7 =	vimm.f32 $0.0e+00;
	v8 =	vld [tilespmem:s25+$0x2040]  }
0x2b: {  	v10 =	vimm.f32 $0.0e+00;
	v5 =	vld [tilespmem:s25+$0x2050];
	v0 =	vadd.f32 v0, v2;
	v6 =	vadd.f32 v1, v2  }
0x2c: {  	s23 =	simm.s32 $0x80;
	s24 =	simm.s32 $0x400;
	v9 =	vld [tilespmem:s25+$0x2060];
	v4 =	vadd.f32 v3, v2;
	v3 =	vimm.f32 $0.0e+00;
	v1 =	vimm.f32 $0.0e+00  }
.LBB2_3:
0x2d: {  	p0 =	sne.s32 s24, $0x6200;
	v13 =	vld [tilespmem:s23+$0x2070];
	v2 =	vadd.f32 v12, v2  }
0x2e: {  	v14 =	vld [tilespmem:s23+$0x2000];
	v7 =	vadd.f32 v11, v7  }
0x2f: {  	v15 =	vld [tilespmem:s23+$0x2010];
	v10 =	vadd.f32 v8, v10  }
.Ltmp2:
0x30: {  	v12 =	vld [tilespmem:s23+$0x2020];
	v3 =	vadd.f32 v5, v3;
	(pc) =	sbr.rel @p0 .LBB2_3-.Ltmp2, $4  }
0x31: {  	v11 =	vld [tilespmem:s23+$0x2030];
	v1 =	vadd.f32 v9, v1  }
0x32: {  	v8 =	vld [tilespmem:s23+$0x2040];
	v0 =	vadd.f32 v13, v0  }
0x33: {  	v6 =	vadd.f32 v14, v6;
	v5 =	vld [tilespmem:s23+$0x2050]  }
0x34: {  	v4 =	vadd.f32 v15, v4;
	v9 =	vld [tilespmem:s23+$0x2060];
	s23 =	sshra.s32 s24, $0x2;
	s24 =	sadd.s32 $0x200, s24  }
0x35: {  	v13 =	vld [tilespmem:s23+$0x2000]  }
0x36: {  	v14 =	vld [tilespmem:s23+$0x2010]  }
0x37: {  	v15 =	vld [tilespmem:s23+$0x2020]  }
0x38: {  	v2 =	vadd.f32 v12, v2;
	v12 =	vld [tilespmem:s23+$0x2050]  }
0x39: {  	v7 =	vadd.f32 v11, v7;
	v11 =	vld [tilespmem:s23+$0x2060]  }
0x3a: {  	v16 =	vld [tilespmem:s23+$0x2030];
	v8 =	vadd.f32 v8, v10;
	v6 =	vadd.f32 v13, v6  }
0x3b: {  	v17 =	vld [tilespmem:s23+$0x2040];
	v3 =	vadd.f32 v5, v3;
	v4 =	vadd.f32 v14, v4  }
0x3c: {  	s31 =	sshll.u32 s22, $0xC;
	v10 =	vld [tilespmem:s23+$0x2070];
	v1 =	vadd.f32 v9, v1;
	v2 =	vadd.f32 v15, v2;
	v6 =	vmul.f32 $1.999999960e-02, v6  }
0x3d: {  	s23 =	sshra.s32 s31, $0x2;
	v3 =	vadd.f32 v12, v3;
	v4 =	vmul.f32 $1.999999960e-02, v4  }
0x3e: {  	v1 =	vadd.f32 v11, v1;
	v2 =	vmul.f32 $1.999999960e-02, v2;
	[tilespmem:s23+$0xF000] =	vst v6  }
0x3f: {  	v5 =	vadd.f32 v16, v7;
	v3 =	vmul.f32 $1.999999960e-02, v3;
	[tilespmem:s23+$0xF010] =	vst v4  }
0x40: {  	v7 =	vadd.f32 v17, v8;
	v1 =	vmul.f32 $1.999999960e-02, v1;
	[tilespmem:s23+$0xF020] =	vst v2  }
0x41: {  	v0 =	vadd.f32 v10, v0;
	v4 =	vmul.f32 $1.999999960e-02, v5;
	[tilespmem:s23+$0xF050] =	vst v3  }
0x42: {  	v2 =	vmul.f32 $1.999999960e-02, v7;
	[tilespmem:s23+$0xF060] =	vst v1  }
0x43: {  	v0 =	vmul.f32 $1.999999960e-02, v0;
	[tilespmem:s23+$0xF030] =	vst v4  }
0x44: {  	[tilespmem:s23+$0xF040] =	vst v2  }
0x45: {  	s26 =	simm.s32 $0x0;
	[tilespmem:s23+$0xF070] =	vst v0  }
0x46: {  	v0 =	vld [tilespmem:s26+$0x3970]  }
0x47: {  	v2 =	vld [tilespmem:s26+$0x3900]  }
0x48: {  	v3 =	vld [tilespmem:s26+$0x3910]  }
0x49: {  	v12 =	vld [tilespmem:s26+$0x3920]  }
0x4a: {  	v10 =	vld [tilespmem:s26+$0x3930]  }
0x4b: {  	v9 =	vimm.f32 $0.0e+00;
	v1 =	vimm.f32 $0.0e+00;
	v7 =	vld [tilespmem:s26+$0x3940]  }
0x4c: {  	v6 =	vimm.f32 $0.0e+00;
	v8 =	vld [tilespmem:s26+$0x3950];
	v0 =	vadd.f32 v0, v1;
	v5 =	vadd.f32 v2, v1  }
0x4d: {  	s24 =	simm.s32 $0x80;
	s25 =	simm.s32 $0x400;
	v11 =	vld [tilespmem:s26+$0x3960];
	v4 =	vadd.f32 v3, v1;
	v3 =	vimm.f32 $0.0e+00;
	v2 =	vimm.f32 $0.0e+00  }
.LBB2_5:
0x4e: {  	p0 =	sne.s32 s25, $0x6200;
	v13 =	vld [tilespmem:s24+$0x3970];
	v1 =	vadd.f32 v12, v1  }
0x4f: {  	v14 =	vld [tilespmem:s24+$0x3900];
	v6 =	vadd.f32 v10, v6  }
0x50: {  	v15 =	vld [tilespmem:s24+$0x3910];
	v9 =	vadd.f32 v7, v9  }
.Ltmp3:
0x51: {  	v12 =	vld [tilespmem:s24+$0x3920];
	v3 =	vadd.f32 v8, v3;
	(pc) =	sbr.rel @p0 .LBB2_5-.Ltmp3, $4  }
0x52: {  	v10 =	vld [tilespmem:s24+$0x3930];
	v2 =	vadd.f32 v11, v2  }
0x53: {  	v7 =	vld [tilespmem:s24+$0x3940];
	v0 =	vadd.f32 v13, v0  }
0x54: {  	v5 =	vadd.f32 v14, v5;
	v8 =	vld [tilespmem:s24+$0x3950]  }
0x55: {  	v4 =	vadd.f32 v15, v4;
	v11 =	vld [tilespmem:s24+$0x3960];
	s24 =	sshra.s32 s25, $0x2;
	s25 =	sadd.s32 $0x200, s25  }
0x56: {  	v13 =	vld [tilespmem:s24+$0x3900]  }
0x57: {  	v14 =	vld [tilespmem:s24+$0x3910]  }
0x58: {  	v15 =	vld [tilespmem:s24+$0x3920]  }
0x59: {  	v1 =	vadd.f32 v12, v1;
	v12 =	vld [tilespmem:s24+$0x3950]  }
0x5a: {  	v16 =	vld [tilespmem:s24+$0x3930]  }
0x5b: {  	v17 =	vld [tilespmem:s24+$0x3940];
	v7 =	vadd.f32 v7, v9;
	v5 =	vadd.f32 v13, v5  }
0x5c: {  	v9 =	vld [tilespmem:s24+$0x3970];
	v3 =	vadd.f32 v8, v3;
	v4 =	vadd.f32 v14, v4  }
0x5d: {  	v6 =	vadd.f32 v10, v6;
	v10 =	vld [tilespmem:s24+$0x3960];
	v1 =	vadd.f32 v15, v1;
	v5 =	vmul.f32 $1.999999960e-02, v5  }
0x5e: {  	v3 =	vadd.f32 v12, v3;
	v4 =	vmul.f32 $1.999999960e-02, v4  }
0x5f: {  	v6 =	vadd.f32 v16, v6;
	v1 =	vmul.f32 $1.999999960e-02, v1;
	[tilespmem:s23+$0xF080] =	vst v5  }
0x60: {  	v2 =	vadd.f32 v11, v2;
	v7 =	vadd.f32 v17, v7;
	v3 =	vmul.f32 $1.999999960e-02, v3;
	[tilespmem:s23+$0xF090] =	vst v4  }
0x61: {  	v0 =	vadd.f32 v9, v0;
	v4 =	vmul.f32 $1.999999960e-02, v6;
	[tilespmem:s23+$0xF0A0] =	vst v1  }
0x62: {  	v2 =	vadd.f32 v10, v2;
	v1 =	vmul.f32 $1.999999960e-02, v7;
	[tilespmem:s23+$0xF0D0] =	vst v3  }
0x63: {  	v0 =	vmul.f32 $1.999999960e-02, v0;
	[tilespmem:s23+$0xF0B0] =	vst v4  }
0x64: {  	p0 =	seq.s32 s22, $0xF;
	s24 =	sshll.u32 s22, $0xB;
	[tilespmem:s23+$0xF0C0] =	vst v1;
	v1 =	vmul.f32 $1.999999960e-02, v2  }
0x65: {  	s25 =	sshrl.u32 @!p0 s24, $0x2;
	[tilespmem:s23+$0xF0F0] =	vst v0  }
0x66: {  	s28 =	simm.s32 @!p0 $0x64;
	s29 =	simm.s32 @!p0 $0x2000;
	s26 =	sadd.s32 @!p0 $0x200, s25;
	[tilespmem:s23+$0xF0E0] =	vst v1  }
0x67: {  	[tilespmem:s29], [sflag:$0x1] =	stream.indirect.gather @!p0 [hbm4b:s2+s28], $0x80, s26, s28, $0xb8;
	[tilespmem:$0x13000] =	vst v63  }
0x68: {  	_ =	swait.ge [sflag:s17], $0x3200  }
0x69: {  	[sflag:s17] =	ssyncset.done $0x0  }
0x6a: {  	s31 =	simm.s32 $0x0;
	[sflag:s17] =	ssyncadd.s32 $0xFFFFCE00  }
0x6b: {  	v0 =	vld [tilespmem:s31+$0x5470]  }
0x6c: {  	v2 =	vld [tilespmem:s31+$0x5400]  }
0x6d: {  	v3 =	vld [tilespmem:s31+$0x5410]  }
0x6e: {  	v12 =	vld [tilespmem:s31+$0x5420]  }
0x6f: {  	v10 =	vld [tilespmem:s31+$0x5430]  }
0x70: {  	v9 =	vimm.f32 $0.0e+00;
	v1 =	vimm.f32 $0.0e+00;
	v7 =	vld [tilespmem:s31+$0x5440]  }
0x71: {  	v6 =	vimm.f32 $0.0e+00;
	v8 =	vld [tilespmem:s31+$0x5450];
	v0 =	vadd.f32 v0, v1;
	v5 =	vadd.f32 v2, v1  }
0x72: {  	s26 =	simm.s32 $0x80;
	s28 =	simm.s32 $0x400;
	v11 =	vld [tilespmem:s31+$0x5460];
	v4 =	vadd.f32 v3, v1;
	v3 =	vimm.f32 $0.0e+00;
	v2 =	vimm.f32 $0.0e+00  }
.LBB2_7:
0x73: {  	p1 =	sne.s32 s28, $0x6200;
	v13 =	vld [tilespmem:s26+$0x5470];
	v1 =	vadd.f32 v12, v1  }
0x74: {  	v14 =	vld [tilespmem:s26+$0x5400];
	v6 =	vadd.f32 v10, v6  }
0x75: {  	v15 =	vld [tilespmem:s26+$0x5410];
	v9 =	vadd.f32 v7, v9  }
.Ltmp4:
0x76: {  	v12 =	vld [tilespmem:s26+$0x5420];
	v3 =	vadd.f32 v8, v3;
	(pc) =	sbr.rel @p1 .LBB2_7-.Ltmp4, $4  }
0x77: {  	v10 =	vld [tilespmem:s26+$0x5430];
	v2 =	vadd.f32 v11, v2  }
0x78: {  	v7 =	vld [tilespmem:s26+$0x5440];
	v0 =	vadd.f32 v13, v0  }
0x79: {  	v5 =	vadd.f32 v14, v5;
	v8 =	vld [tilespmem:s26+$0x5450]  }
0x7a: {  	v4 =	vadd.f32 v15, v4;
	v11 =	vld [tilespmem:s26+$0x5460];
	s26 =	sshra.s32 s28, $0x2;
	s28 =	sadd.s32 $0x200, s28  }
0x7b: {  	v13 =	vld [tilespmem:s26+$0x5400]  }
0x7c: {  	v14 =	vld [tilespmem:s26+$0x5410]  }
0x7d: {  	v15 =	vld [tilespmem:s26+$0x5420]  }
0x7e: {  	v1 =	vadd.f32 v12, v1;
	v12 =	vld [tilespmem:s26+$0x5450]  }
0x7f: {  	v16 =	vld [tilespmem:s26+$0x5430]  }
0x80: {  	v17 =	vld [tilespmem:s26+$0x5440];
	v7 =	vadd.f32 v7, v9;
	v5 =	vadd.f32 v13, v5  }
0x81: {  	v9 =	vld [tilespmem:s26+$0x5470];
	v3 =	vadd.f32 v8, v3;
	v4 =	vadd.f32 v14, v4  }
0x82: {  	v6 =	vadd.f32 v10, v6;
	v10 =	vld [tilespmem:s26+$0x5460];
	v1 =	vadd.f32 v15, v1;
	v5 =	vmul.f32 $1.999999960e-02, v5  }
0x83: {  	v3 =	vadd.f32 v12, v3;
	v4 =	vmul.f32 $1.999999960e-02, v4  }
0x84: {  	v6 =	vadd.f32 v16, v6;
	v1 =	vmul.f32 $1.999999960e-02, v1;
	[tilespmem:s23+$0xF100] =	vst v5  }
0x85: {  	v2 =	vadd.f32 v11, v2;
	v7 =	vadd.f32 v17, v7;
	v3 =	vmul.f32 $1.999999960e-02, v3;
	[tilespmem:s23+$0xF110] =	vst v4  }
0x86: {  	v0 =	vadd.f32 v9, v0;
	v4 =	vmul.f32 $1.999999960e-02, v6;
	[tilespmem:s23+$0xF120] =	vst v1  }
0x87: {  	v2 =	vadd.f32 v10, v2;
	v1 =	vmul.f32 $1.999999960e-02, v7;
	[tilespmem:s23+$0xF150] =	vst v3  }
0x88: {  	v0 =	vmul.f32 $1.999999960e-02, v0;
	[tilespmem:s23+$0xF130] =	vst v4  }
0x89: {  	[tilespmem:s23+$0xF140] =	vst v1;
	v1 =	vmul.f32 $1.999999960e-02, v2  }
0x8a: {  	[tilespmem:s23+$0xF170] =	vst v0  }
0x8b: {  	s29 =	simm.s32 $0x0;
	[tilespmem:s23+$0xF160] =	vst v1  }
0x8c: {  	v0 =	vld [tilespmem:s29+$0x6D70]  }
0x8d: {  	v2 =	vld [tilespmem:s29+$0x6D00]  }
0x8e: {  	v3 =	vld [tilespmem:s29+$0x6D10]  }
0x8f: {  	v12 =	vld [tilespmem:s29+$0x6D20]  }
0x90: {  	v10 =	vld [tilespmem:s29+$0x6D30]  }
0x91: {  	v9 =	vimm.f32 $0.0e+00;
	v1 =	vimm.f32 $0.0e+00;
	v7 =	vld [tilespmem:s29+$0x6D40]  }
0x92: {  	v6 =	vimm.f32 $0.0e+00;
	v8 =	vld [tilespmem:s29+$0x6D50];
	v0 =	vadd.f32 v0, v1;
	v5 =	vadd.f32 v2, v1  }
0x93: {  	s28 =	simm.s32 $0x400;
	s26 =	simm.s32 $0x80;
	v11 =	vld [tilespmem:s29+$0x6D60];
	v4 =	vadd.f32 v3, v1;
	v3 =	vimm.f32 $0.0e+00;
	v2 =	vimm.f32 $0.0e+00  }
.LBB2_9:
0x94: {  	p1 =	sne.s32 s28, $0x6200;
	v13 =	vld [tilespmem:s26+$0x6D70];
	v1 =	vadd.f32 v12, v1  }
0x95: {  	v14 =	vld [tilespmem:s26+$0x6D00];
	v6 =	vadd.f32 v10, v6  }
0x96: {  	v15 =	vld [tilespmem:s26+$0x6D10];
	v9 =	vadd.f32 v7, v9  }
.Ltmp5:
0x97: {  	v12 =	vld [tilespmem:s26+$0x6D20];
	v3 =	vadd.f32 v8, v3;
	(pc) =	sbr.rel @p1 .LBB2_9-.Ltmp5, $4  }
0x98: {  	v10 =	vld [tilespmem:s26+$0x6D30];
	v2 =	vadd.f32 v11, v2  }
0x99: {  	v7 =	vld [tilespmem:s26+$0x6D40];
	v0 =	vadd.f32 v13, v0  }
0x9a: {  	v5 =	vadd.f32 v14, v5;
	v8 =	vld [tilespmem:s26+$0x6D50]  }
0x9b: {  	v4 =	vadd.f32 v15, v4;
	v11 =	vld [tilespmem:s26+$0x6D60];
	s26 =	sshra.s32 s28, $0x2;
	s28 =	sadd.s32 $0x200, s28  }
0x9c: {  	v13 =	vld [tilespmem:s26+$0x6D00]  }
0x9d: {  	v14 =	vld [tilespmem:s26+$0x6D10]  }
0x9e: {  	v15 =	vld [tilespmem:s26+$0x6D20]  }
0x9f: {  	v1 =	vadd.f32 v12, v1;
	v12 =	vld [tilespmem:s26+$0x6D50]  }
0xa0: {  	v16 =	vld [tilespmem:s26+$0x6D30]  }
0xa1: {  	v17 =	vld [tilespmem:s26+$0x6D40];
	v7 =	vadd.f32 v7, v9;
	v5 =	vadd.f32 v13, v5  }
0xa2: {  	v9 =	vld [tilespmem:s26+$0x6D70];
	v3 =	vadd.f32 v8, v3;
	v4 =	vadd.f32 v14, v4  }
0xa3: {  	v6 =	vadd.f32 v10, v6;
	v10 =	vld [tilespmem:s26+$0x6D60];
	v1 =	vadd.f32 v15, v1;
	v5 =	vmul.f32 $1.999999960e-02, v5  }
0xa4: {  	v3 =	vadd.f32 v12, v3;
	v4 =	vmul.f32 $1.999999960e-02, v4  }
0xa5: {  	v6 =	vadd.f32 v16, v6;
	v1 =	vmul.f32 $1.999999960e-02, v1;
	[tilespmem:s23+$0xF180] =	vst v5  }
0xa6: {  	v2 =	vadd.f32 v11, v2;
	v7 =	vadd.f32 v17, v7;
	v3 =	vmul.f32 $1.999999960e-02, v3;
	[tilespmem:s23+$0xF190] =	vst v4  }
0xa7: {  	v0 =	vadd.f32 v9, v0;
	v4 =	vmul.f32 $1.999999960e-02, v6;
	[tilespmem:s23+$0xF1A0] =	vst v1  }
0xa8: {  	v2 =	vadd.f32 v10, v2;
	v1 =	vmul.f32 $1.999999960e-02, v7;
	[tilespmem:s23+$0xF1D0] =	vst v3  }
0xa9: {  	v0 =	vmul.f32 $1.999999960e-02, v0;
	[tilespmem:s23+$0xF1B0] =	vst v4  }
0xaa: {  	[tilespmem:s23+$0xF1C0] =	vst v1;
	v1 =	vmul.f32 $1.999999960e-02, v2  }
0xab: {  	[tilespmem:s23+$0xF1F0] =	vst v0  }
0xac: {  	s28 =	simm.s32 @!p0 $0x64;
	s29 =	simm.s32 @!p0 $0x5400;
	s26 =	sadd.s32 @!p0 $0x280, s25;
	[tilespmem:s23+$0xF1E0] =	vst v1  }
0xad: {  	[tilespmem:s29], [sflag:$0x2] =	stream.indirect.gather @!p0 [hbm4b:s2+s28], $0x80, s26, s28, $0xb8;
	[tilespmem:$0x13000] =	vst v63  }
0xae: {  	_ =	swait.ge [sflag:s18], $0x3200  }
0xaf: {  	[sflag:s18] =	ssyncset.done $0x0  }
0xb0: {  	s31 =	simm.s32 $0x0;
	[sflag:s18] =	ssyncadd.s32 $0xFFFFCE00  }
0xb1: {  	v0 =	vld [tilespmem:s31+$0x8870]  }
0xb2: {  	v2 =	vld [tilespmem:s31+$0x8800]  }
0xb3: {  	v3 =	vld [tilespmem:s31+$0x8810]  }
0xb4: {  	v12 =	vld [tilespmem:s31+$0x8820]  }
0xb5: {  	v10 =	vld [tilespmem:s31+$0x8830]  }
0xb6: {  	v9 =	vimm.f32 $0.0e+00;
	v1 =	vimm.f32 $0.0e+00;
	v7 =	vld [tilespmem:s31+$0x8840]  }
0xb7: {  	v6 =	vimm.f32 $0.0e+00;
	v8 =	vld [tilespmem:s31+$0x8850];
	v0 =	vadd.f32 v0, v1;
	v5 =	vadd.f32 v2, v1  }
0xb8: {  	s26 =	simm.s32 $0x80;
	s28 =	simm.s32 $0x400;
	v11 =	vld [tilespmem:s31+$0x8860];
	v4 =	vadd.f32 v3, v1;
	v3 =	vimm.f32 $0.0e+00;
	v2 =	vimm.f32 $0.0e+00  }
.LBB2_11:
0xb9: {  	p1 =	sne.s32 s28, $0x6200;
	v13 =	vld [tilespmem:s26+$0x8870];
	v1 =	vadd.f32 v12, v1  }
0xba: {  	v14 =	vld [tilespmem:s26+$0x8800];
	v6 =	vadd.f32 v10, v6  }
0xbb: {  	v15 =	vld [tilespmem:s26+$0x8810];
	v9 =	vadd.f32 v7, v9  }
.Ltmp6:
0xbc: {  	v12 =	vld [tilespmem:s26+$0x8820];
	v3 =	vadd.f32 v8, v3;
	(pc) =	sbr.rel @p1 .LBB2_11-.Ltmp6, $4  }
0xbd: {  	v10 =	vld [tilespmem:s26+$0x8830];
	v2 =	vadd.f32 v11, v2  }
0xbe: {  	v7 =	vld [tilespmem:s26+$0x8840];
	v0 =	vadd.f32 v13, v0  }
0xbf: {  	v5 =	vadd.f32 v14, v5;
	v8 =	vld [tilespmem:s26+$0x8850]  }
0xc0: {  	v4 =	vadd.f32 v15, v4;
	v11 =	vld [tilespmem:s26+$0x8860];
	s26 =	sshra.s32 s28, $0x2;
	s28 =	sadd.s32 $0x200, s28  }
0xc1: {  	v13 =	vld [tilespmem:s26+$0x8800]  }
0xc2: {  	v14 =	vld [tilespmem:s26+$0x8810]  }
0xc3: {  	v15 =	vld [tilespmem:s26+$0x8820]  }
0xc4: {  	v1 =	vadd.f32 v12, v1;
	v12 =	vld [tilespmem:s26+$0x8850]  }
0xc5: {  	v16 =	vld [tilespmem:s26+$0x8830]  }
0xc6: {  	v17 =	vld [tilespmem:s26+$0x8840];
	v7 =	vadd.f32 v7, v9;
	v5 =	vadd.f32 v13, v5  }
0xc7: {  	v9 =	vld [tilespmem:s26+$0x8870];
	v3 =	vadd.f32 v8, v3;
	v4 =	vadd.f32 v14, v4  }
0xc8: {  	v6 =	vadd.f32 v10, v6;
	v10 =	vld [tilespmem:s26+$0x8860];
	v1 =	vadd.f32 v15, v1;
	v5 =	vmul.f32 $1.999999960e-02, v5  }
0xc9: {  	v3 =	vadd.f32 v12, v3;
	v4 =	vmul.f32 $1.999999960e-02, v4  }
0xca: {  	v6 =	vadd.f32 v16, v6;
	v1 =	vmul.f32 $1.999999960e-02, v1;
	[tilespmem:s23+$0xF200] =	vst v5  }
0xcb: {  	v2 =	vadd.f32 v11, v2;
	v7 =	vadd.f32 v17, v7;
	v3 =	vmul.f32 $1.999999960e-02, v3;
	[tilespmem:s23+$0xF210] =	vst v4  }
0xcc: {  	v0 =	vadd.f32 v9, v0;
	v4 =	vmul.f32 $1.999999960e-02, v6;
	[tilespmem:s23+$0xF220] =	vst v1  }
0xcd: {  	v2 =	vadd.f32 v10, v2;
	v1 =	vmul.f32 $1.999999960e-02, v7;
	[tilespmem:s23+$0xF250] =	vst v3  }
0xce: {  	v0 =	vmul.f32 $1.999999960e-02, v0;
	[tilespmem:s23+$0xF230] =	vst v4  }
0xcf: {  	[tilespmem:s23+$0xF240] =	vst v1;
	v1 =	vmul.f32 $1.999999960e-02, v2  }
0xd0: {  	[tilespmem:s23+$0xF270] =	vst v0  }
0xd1: {  	s29 =	simm.s32 $0x0;
	[tilespmem:s23+$0xF260] =	vst v1  }
0xd2: {  	v0 =	vld [tilespmem:s29+$0xA170]  }
0xd3: {  	v2 =	vld [tilespmem:s29+$0xA100]  }
0xd4: {  	v3 =	vld [tilespmem:s29+$0xA110]  }
0xd5: {  	v12 =	vld [tilespmem:s29+$0xA120]  }
0xd6: {  	v10 =	vld [tilespmem:s29+$0xA130]  }
0xd7: {  	v9 =	vimm.f32 $0.0e+00;
	v1 =	vimm.f32 $0.0e+00;
	v7 =	vld [tilespmem:s29+$0xA140]  }
0xd8: {  	v6 =	vimm.f32 $0.0e+00;
	v8 =	vld [tilespmem:s29+$0xA150];
	v0 =	vadd.f32 v0, v1;
	v5 =	vadd.f32 v2, v1  }
0xd9: {  	s28 =	simm.s32 $0x400;
	s26 =	simm.s32 $0x80;
	v11 =	vld [tilespmem:s29+$0xA160];
	v4 =	vadd.f32 v3, v1;
	v3 =	vimm.f32 $0.0e+00;
	v2 =	vimm.f32 $0.0e+00  }
.LBB2_13:
0xda: {  	p1 =	sne.s32 s28, $0x6200;
	v13 =	vld [tilespmem:s26+$0xA170];
	v1 =	vadd.f32 v12, v1  }
0xdb: {  	v14 =	vld [tilespmem:s26+$0xA100];
	v6 =	vadd.f32 v10, v6  }
0xdc: {  	v15 =	vld [tilespmem:s26+$0xA110];
	v9 =	vadd.f32 v7, v9  }
.Ltmp7:
0xdd: {  	v12 =	vld [tilespmem:s26+$0xA120];
	v3 =	vadd.f32 v8, v3;
	(pc) =	sbr.rel @p1 .LBB2_13-.Ltmp7, $4  }
0xde: {  	v10 =	vld [tilespmem:s26+$0xA130];
	v2 =	vadd.f32 v11, v2  }
0xdf: {  	v7 =	vld [tilespmem:s26+$0xA140];
	v0 =	vadd.f32 v13, v0  }
0xe0: {  	v5 =	vadd.f32 v14, v5;
	v8 =	vld [tilespmem:s26+$0xA150]  }
0xe1: {  	v4 =	vadd.f32 v15, v4;
	v11 =	vld [tilespmem:s26+$0xA160];
	s26 =	sshra.s32 s28, $0x2;
	s28 =	sadd.s32 $0x200, s28  }
0xe2: {  	v13 =	vld [tilespmem:s26+$0xA100]  }
0xe3: {  	v14 =	vld [tilespmem:s26+$0xA110]  }
0xe4: {  	v15 =	vld [tilespmem:s26+$0xA120]  }
0xe5: {  	v1 =	vadd.f32 v12, v1;
	v12 =	vld [tilespmem:s26+$0xA150]  }
0xe6: {  	v16 =	vld [tilespmem:s26+$0xA130]  }
0xe7: {  	v17 =	vld [tilespmem:s26+$0xA140];
	v7 =	vadd.f32 v7, v9;
	v5 =	vadd.f32 v13, v5  }
0xe8: {  	v9 =	vld [tilespmem:s26+$0xA170];
	v3 =	vadd.f32 v8, v3;
	v4 =	vadd.f32 v14, v4  }
0xe9: {  	v6 =	vadd.f32 v10, v6;
	v10 =	vld [tilespmem:s26+$0xA160];
	v1 =	vadd.f32 v15, v1;
	v5 =	vmul.f32 $1.999999960e-02, v5  }
0xea: {  	v3 =	vadd.f32 v12, v3;
	v4 =	vmul.f32 $1.999999960e-02, v4  }
0xeb: {  	v6 =	vadd.f32 v16, v6;
	v1 =	vmul.f32 $1.999999960e-02, v1;
	[tilespmem:s23+$0xF280] =	vst v5  }
0xec: {  	v2 =	vadd.f32 v11, v2;
	v7 =	vadd.f32 v17, v7;
	v3 =	vmul.f32 $1.999999960e-02, v3;
	[tilespmem:s23+$0xF290] =	vst v4  }
0xed: {  	v0 =	vadd.f32 v9, v0;
	v4 =	vmul.f32 $1.999999960e-02, v6;
	[tilespmem:s23+$0xF2A0] =	vst v1  }
0xee: {  	v2 =	vadd.f32 v10, v2;
	v1 =	vmul.f32 $1.999999960e-02, v7;
	[tilespmem:s23+$0xF2D0] =	vst v3  }
0xef: {  	v0 =	vmul.f32 $1.999999960e-02, v0;
	[tilespmem:s23+$0xF2B0] =	vst v4  }
0xf0: {  	[tilespmem:s23+$0xF2C0] =	vst v1;
	v1 =	vmul.f32 $1.999999960e-02, v2  }
0xf1: {  	[tilespmem:s23+$0xF2F0] =	vst v0  }
0xf2: {  	s25 =	sadd.s32 @!p0 $0x300, s25;
	s28 =	simm.s32 @!p0 $0x8800;
	s26 =	simm.s32 @!p0 $0x64;
	[tilespmem:s23+$0xF2E0] =	vst v1  }
0xf3: {  	[tilespmem:s28], [sflag:$0x3] =	stream.indirect.gather @!p0 [hbm4b:s2+s26], $0x80, s25, s26, $0xb8;
	[tilespmem:$0x13000] =	vst v63  }
0xf4: {  	_ =	swait.ge [sflag:s19], $0x3200  }
0xf5: {  	[sflag:s19] =	ssyncset.done $0x0  }
0xf6: {  	s31 =	simm.s32 $0x0;
	[sflag:s19] =	ssyncadd.s32 $0xFFFFCE00  }
0xf7: {  	v0 =	vld [tilespmem:s31+$0xBC70]  }
0xf8: {  	v2 =	vld [tilespmem:s31+$0xBC00]  }
0xf9: {  	v3 =	vld [tilespmem:s31+$0xBC10]  }
0xfa: {  	v12 =	vld [tilespmem:s31+$0xBC20]  }
0xfb: {  	v10 =	vld [tilespmem:s31+$0xBC30]  }
0xfc: {  	v9 =	vimm.f32 $0.0e+00;
	v1 =	vimm.f32 $0.0e+00;
	v7 =	vld [tilespmem:s31+$0xBC40]  }
0xfd: {  	v6 =	vimm.f32 $0.0e+00;
	v8 =	vld [tilespmem:s31+$0xBC50];
	v0 =	vadd.f32 v0, v1;
	v5 =	vadd.f32 v2, v1  }
0xfe: {  	s25 =	simm.s32 $0x80;
	s26 =	simm.s32 $0x400;
	v11 =	vld [tilespmem:s31+$0xBC60];
	v4 =	vadd.f32 v3, v1;
	v3 =	vimm.f32 $0.0e+00;
	v2 =	vimm.f32 $0.0e+00  }
.LBB2_15:
0xff: {  	p1 =	sne.s32 s26, $0x6200;
	v13 =	vld [tilespmem:s25+$0xBC70];
	v1 =	vadd.f32 v12, v1  }
0x100: {  	v14 =	vld [tilespmem:s25+$0xBC00];
	v6 =	vadd.f32 v10, v6  }
0x101: {  	v15 =	vld [tilespmem:s25+$0xBC10];
	v9 =	vadd.f32 v7, v9  }
.Ltmp8:
0x102: {  	v12 =	vld [tilespmem:s25+$0xBC20];
	v3 =	vadd.f32 v8, v3;
	(pc) =	sbr.rel @p1 .LBB2_15-.Ltmp8, $4  }
0x103: {  	v10 =	vld [tilespmem:s25+$0xBC30];
	v2 =	vadd.f32 v11, v2  }
0x104: {  	v7 =	vld [tilespmem:s25+$0xBC40];
	v0 =	vadd.f32 v13, v0  }
0x105: {  	v5 =	vadd.f32 v14, v5;
	v8 =	vld [tilespmem:s25+$0xBC50]  }
0x106: {  	v4 =	vadd.f32 v15, v4;
	v11 =	vld [tilespmem:s25+$0xBC60];
	s25 =	sshra.s32 s26, $0x2;
	s26 =	sadd.s32 $0x200, s26  }
0x107: {  	v13 =	vld [tilespmem:s25+$0xBC00]  }
0x108: {  	v14 =	vld [tilespmem:s25+$0xBC10]  }
0x109: {  	v15 =	vld [tilespmem:s25+$0xBC20]  }
0x10a: {  	v1 =	vadd.f32 v12, v1;
	v12 =	vld [tilespmem:s25+$0xBC50]  }
0x10b: {  	v16 =	vld [tilespmem:s25+$0xBC30]  }
0x10c: {  	v17 =	vld [tilespmem:s25+$0xBC40];
	v7 =	vadd.f32 v7, v9;
	v5 =	vadd.f32 v13, v5  }
0x10d: {  	v9 =	vld [tilespmem:s25+$0xBC70];
	v3 =	vadd.f32 v8, v3;
	v4 =	vadd.f32 v14, v4  }
0x10e: {  	v6 =	vadd.f32 v10, v6;
	v10 =	vld [tilespmem:s25+$0xBC60];
	v1 =	vadd.f32 v15, v1;
	v5 =	vmul.f32 $1.999999960e-02, v5  }
0x10f: {  	v3 =	vadd.f32 v12, v3;
	v4 =	vmul.f32 $1.999999960e-02, v4  }
0x110: {  	v6 =	vadd.f32 v16, v6;
	v1 =	vmul.f32 $1.999999960e-02, v1;
	[tilespmem:s23+$0xF300] =	vst v5  }
0x111: {  	v2 =	vadd.f32 v11, v2;
	v7 =	vadd.f32 v17, v7;
	v3 =	vmul.f32 $1.999999960e-02, v3;
	[tilespmem:s23+$0xF310] =	vst v4  }
0x112: {  	v0 =	vadd.f32 v9, v0;
	v4 =	vmul.f32 $1.999999960e-02, v6;
	[tilespmem:s23+$0xF320] =	vst v1  }
0x113: {  	v2 =	vadd.f32 v10, v2;
	v1 =	vmul.f32 $1.999999960e-02, v7;
	[tilespmem:s23+$0xF350] =	vst v3  }
0x114: {  	v0 =	vmul.f32 $1.999999960e-02, v0;
	[tilespmem:s23+$0xF330] =	vst v4  }
0x115: {  	[tilespmem:s23+$0xF340] =	vst v1;
	v1 =	vmul.f32 $1.999999960e-02, v2  }
0x116: {  	[tilespmem:s23+$0xF370] =	vst v0  }
0x117: {  	s28 =	simm.s32 $0x0;
	[tilespmem:s23+$0xF360] =	vst v1  }
0x118: {  	v0 =	vld [tilespmem:s28+$0xD570]  }
0x119: {  	v2 =	vld [tilespmem:s28+$0xD500]  }
0x11a: {  	v3 =	vld [tilespmem:s28+$0xD510]  }
0x11b: {  	v12 =	vld [tilespmem:s28+$0xD520]  }
0x11c: {  	v10 =	vld [tilespmem:s28+$0xD530]  }
0x11d: {  	v9 =	vimm.f32 $0.0e+00;
	v1 =	vimm.f32 $0.0e+00;
	v7 =	vld [tilespmem:s28+$0xD540]  }
0x11e: {  	v6 =	vimm.f32 $0.0e+00;
	v8 =	vld [tilespmem:s28+$0xD550];
	v0 =	vadd.f32 v0, v1;
	v5 =	vadd.f32 v2, v1  }
0x11f: {  	s26 =	simm.s32 $0x400;
	s25 =	simm.s32 $0x80;
	v11 =	vld [tilespmem:s28+$0xD560];
	v4 =	vadd.f32 v3, v1;
	v3 =	vimm.f32 $0.0e+00;
	v2 =	vimm.f32 $0.0e+00  }
.LBB2_17:
0x120: {  	p1 =	sne.s32 s26, $0x6200;
	v13 =	vld [tilespmem:s25+$0xD570];
	v1 =	vadd.f32 v12, v1  }
0x121: {  	v14 =	vld [tilespmem:s25+$0xD500];
	v6 =	vadd.f32 v10, v6  }
0x122: {  	v15 =	vld [tilespmem:s25+$0xD510];
	v9 =	vadd.f32 v7, v9  }
.Ltmp9:
0x123: {  	v12 =	vld [tilespmem:s25+$0xD520];
	v3 =	vadd.f32 v8, v3;
	(pc) =	sbr.rel @p1 .LBB2_17-.Ltmp9, $4  }
0x124: {  	v10 =	vld [tilespmem:s25+$0xD530];
	v2 =	vadd.f32 v11, v2  }
0x125: {  	v7 =	vld [tilespmem:s25+$0xD540];
	v0 =	vadd.f32 v13, v0  }
0x126: {  	v5 =	vadd.f32 v14, v5;
	v8 =	vld [tilespmem:s25+$0xD550]  }
0x127: {  	v4 =	vadd.f32 v15, v4;
	v11 =	vld [tilespmem:s25+$0xD560];
	s25 =	sshra.s32 s26, $0x2;
	s26 =	sadd.s32 $0x200, s26  }
0x128: {  	v13 =	vld [tilespmem:s25+$0xD500]  }
0x129: {  	v14 =	vld [tilespmem:s25+$0xD510]  }
0x12a: {  	v15 =	vld [tilespmem:s25+$0xD520]  }
0x12b: {  	v16 =	vld [tilespmem:s25+$0xD530]  }
0x12c: {  	v17 =	vld [tilespmem:s25+$0xD540]  }
0x12d: {  	v1 =	vadd.f32 v12, v1;
	v58 =	vld [tilespmem:s25+$0xD550];
	v5 =	vadd.f32 v13, v5  }
0x12e: {  	v60 =	vld [tilespmem:s25+$0xD570];
	v6 =	vadd.f32 v10, v6;
	v4 =	vadd.f32 v14, v4  }
0x12f: {  	v59 =	vld [tilespmem:s25+$0xD560];
	v7 =	vadd.f32 v7, v9;
	v1 =	vadd.f32 v15, v1;
	v5 =	vmul.f32 $1.999999960e-02, v5  }
0x130: {  	v3 =	vadd.f32 v8, v3;
	v6 =	vadd.f32 v16, v6;
	v4 =	vmul.f32 $1.999999960e-02, v4  }
0x131: {  	v7 =	vadd.f32 v17, v7;
	v1 =	vmul.f32 $1.999999960e-02, v1;
	[tilespmem:s23+$0xF380] =	vst v5  }
0x132: {  	v2 =	vadd.f32 v11, v2;
	v3 =	vadd.f32 v58, v3;
	v61 =	vmul.f32 $1.999999960e-02, v6;
	[tilespmem:s23+$0xF390] =	vst v4  }
0x133: {  	v0 =	vadd.f32 v60, v0;
	v62 =	vmul.f32 $1.999999960e-02, v7;
	[tilespmem:s23+$0xF3A0] =	vst v1  }
.Ltmp10:
0x134: {  	v2 =	vadd.f32 v59, v2;
	v3 =	vmul.f32 $1.999999960e-02, v3;
	[tilespmem:s23+$0xF3B0] =	vst v61;
	(pc) =	sbr.rel @p0 .LBB2_20-.Ltmp10, $4  }
0x135: {  	v0 =	vmul.f32 $1.999999960e-02, v0;
	[tilespmem:s23+$0xF3C0] =	vst v62  }
0x136: {  	v63 =	vmul.f32 $1.999999960e-02, v2;
	[tilespmem:s23+$0xF3D0] =	vst v3  }
0x137: {  	[tilespmem:s23+$0xF3F0] =	vst v0  }
0x138: {  	[tilespmem:s23+$0xF3E0] =	vst v63  }
.Ltmp11:
0x139: {  	(pc) =	sbr.rel .LBB2_2-.Ltmp11, $4  }
0x13a: {  	_ = 	snop  }
0x13b: {  	s23 =	sshrl.u32 s24, $0x2  }
0x13c: {  	s22 =	sadd.s32 $0x1, s22;
	s23 =	sadd.s32 $0x380, s23  }
0x13d: {  	[tilespmem:s15], [sflag:$0x4] =	stream.indirect.gather [hbm4b:s2+s8], $0x80, s23, s8, $0xb8;
	[tilespmem:$0x13000] =	vst v63  }
.LBB2_21:
0x13e: {  	_ =	sfence.sel $0x180000  }
0x13f: {  	[bflag:$0x0] =	sbarrier.arrive $0xFFFF  }
0x140: {  	p0 =	sne.s32 s1, $0x0;
	_ =	strace $0x90000047  }
0x141: {  	s0 =	sadd.s32 @!p0 $0x100000, s0;
	[bflag:$0x2] =	sbarrier.arrive $0xFFFF  }
0x142: {  	[sflag:s0] =	ssyncadd.tile.s32 @!p0 $0x1;
	_ =	shalt  }
.Lfunc_end2:
_tile_overlayer_lowered:
.L_overlay_start_2:
0x143: {  	(tag) =	ssettag $0x2  }
0x144: {  	s0 =	rddreg [dreg:$0x0];
	s2 =	stileid.u32  }
0x145: {  	s1 =	rddreg [dreg:$0x1];
	p0 =	sne.s32 s2, $0x0  }
0x146: {  	s3 =	rddreg [dreg:$0x2];
	[bflag:$0x3] =	sbarrier.arrive $0xFFFF;
	s2 =	simm.s32 @!p0 $0x1C05  }
0x147: {  	[timem:s3], [sflag:s2] =	dma.local @!p0 [hbm:s0], s1  }
0x148: {  	s0 =	simm.s32 @!p0 $0x5  }
0x149: {  	_ =	swait.ge @!p0 [sflag:s0], s1  }
0x14a: {  	s1 =	ssub.s32 @!p0 $0x0, s1;
	[sflag:s0] =	ssyncset.done @!p0 $0x0  }
0x14b: {  	[sflag:s0] =	ssyncadd.s32 @!p0 s1  }
0x14c: {  	[bflag:$0x3] =	sbarrier.arrive $0xFFFF  }
0x14d: {  	_ =	shalt  }

</sc_bundles>
